<compile_context>
chip_gen: v7x
topology: tpu7x:2x2x1
jax: 0.10.2.dev20260603
libtpu: 0.0.44.dev20260713+nightly
codegen_flags: <defaults>
</compile_context>

<pallas_src>
import functools

import jax
import jax.numpy as jnp
from jax import lax
from jax.experimental import pallas as pl
from jax.experimental.pallas import tpu as pltpu
from jax.experimental.pallas import tpu_sc as plsc

D = 64
NC = 2
NS = 16
NW = NC * NS
CB = 256
NBUF = 5
IDX_PER_STREAM = 128
NSTREAM = CB // IDX_PER_STREAM
SCALE = float(D) ** 0.5


def _sc_embedding_gather(t2v, idx_flat, B):
    b_per_w = B // NW
    nch = b_per_w // CB
    mesh = plsc.VectorSubcoreMesh(core_axis_name="c", subcore_axis_name="s")

    @functools.partial(
        pl.kernel,
        out_type=jax.ShapeDtypeStruct((B, 128), jnp.float32),
        mesh=mesh,
        compiler_params=pltpu.CompilerParams(use_tc_tiling_on_sc=False),
        scratch_types=(
            [pltpu.VMEM((b_per_w,), jnp.int32)]
            + [pltpu.VMEM((CB,), jnp.int32) for _ in range(NBUF)]
            + [pltpu.VMEM((CB, D), jnp.float32) for _ in range(NBUF)]
            + [pltpu.SemaphoreType.DMA for _ in range(2 * NBUF)]
        ),
    )
    def k(t2v_hbm, idx_hbm, out_hbm, idx_v, *bufs):
        h = bufs[:NBUF]
        r = bufs[NBUF:2 * NBUF]
        gsem = bufs[2 * NBUF:3 * NBUF]
        ssem = bufs[3 * NBUF:]
        wid = lax.axis_index("s") * NC + lax.axis_index("c")
        base = wid * b_per_w

        pltpu.sync_copy(idx_hbm.at[pl.ds(base, b_per_w)], idx_v)

        def fire_gathers(g, b):
            off = g * CB
            hb = h[b]

            def hsetup(t, carry):
                iv = idx_v[pl.ds(off + t * 16, 16)]
                hb[pl.ds(t * 16, 16)] = jnp.where(iv == 0, 1, iv * 2)
                return carry

            lax.fori_loop(0, CB // 16, hsetup, 0)
            for j in range(NSTREAM):
                pltpu.async_copy(
                    t2v_hbm.at[hb.at[pl.ds(j * IDX_PER_STREAM,
                                           IDX_PER_STREAM)]],
                    r[b].at[pl.ds(j * IDX_PER_STREAM, IDX_PER_STREAM)],
                    gsem[b],
                )

        def wait_gathers(b):
            pltpu.make_async_copy(
                t2v_hbm.at[pl.ds(0, CB)], r[b], gsem[b]).wait()

        def start_store(g, b):
            pltpu.async_copy(
                r[b], out_hbm.at[pl.ds(base + g * CB, CB), pl.ds(0, D)],
                ssem[b])

        def wait_store(b):
            pltpu.make_async_copy(
                r[b], out_hbm.at[pl.ds(0, CB), pl.ds(0, D)], ssem[b]).wait()

        for b in range(NBUF):
            fire_gathers(b, b)

        def outer(o, carry):
            for b in range(NBUF):
                g = o * NBUF + b
                wait_gathers(b)
                start_store(g, b)

                @pl.when(g + NBUF < nch)
                def _():
                    wait_store(b)
                    fire_gathers(g + NBUF, b)
            return carry

        lax.fori_loop(0, nch // NBUF, outer, 0)
        for b in range(NBUF):
            wait_store(b)

    return k(t2v, idx_flat)


def kernel(inputs, shared_weights):
    bsz, seq = inputs.shape
    B = bsz * seq
    vocab = shared_weights.shape[0]
    idx_flat = inputs.astype(jnp.int32).reshape(B)
    wp = jnp.pad(shared_weights, ((0, 0), (0, 128 - D))) * SCALE
    t2v = wp.reshape(2 * vocab, D)
    out = _sc_embedding_gather(t2v, idx_flat, B)
    return out[:, :D].reshape(bsz, seq, D)

# --- scband reference (transcript-rebuilt; emitter-appended) ---
"""Pipeline reference for scband-embedding-shared-weights-88055419502832 (READ-ONLY COPY).

The authoritative reference and input builder live on the scoring server;
editing this copy changes nothing except your own understanding.
"""

import jax, jax.numpy as jnp
import numpy as np

VOCAB_SIZE = 1000000
HIDDEN_SIZE = 64
BATCH = 4096
SEQ_LEN = 200


def setup_inputs(seed: int = 0) -> dict:
    key = jax.random.key(seed)
    k_idx, k_w = jax.random.split(key)
    inputs = jax.random.randint(k_idx, (BATCH, SEQ_LEN), 0, VOCAB_SIZE, dtype=jnp.int64 if jax.config.jax_enable_x64 else jnp.int32).astype(jnp.int32)
    # learned embedding table, initializer RandomNormal(0, hidden_size**-0.5)
    shared_weights = jax.random.normal(k_w, (VOCAB_SIZE, HIDDEN_SIZE), dtype=jnp.float32) * (HIDDEN_SIZE ** -0.5)
    return {"inputs": inputs, "shared_weights": shared_weights}


def reference(inputs, shared_weights):
    hidden_size = shared_weights.shape[1]
    idx = inputs.astype(jnp.int32)
    # gather rows of the shared embedding table
    embeddings = jnp.take(shared_weights, idx, axis=0)
    # scale by sqrt(hidden_size)
    embeddings = embeddings * (hidden_size ** 0.5)
    # zero out padding positions (token id == 0)
    padding = (idx == 0).astype(jnp.float32)
    embeddings = embeddings * jnp.expand_dims(1.0 - padding, -1)
    return embeddings

if __name__ == "__main__":
    import jax
    _d = setup_inputs()
    print(jax.jit(kernel)(*tuple(_d.values())))

</pallas_src>

<mosaic_0001>
#map = affine_map<(d0, d1) -> (0, 0)>
#map1 = affine_map<(d0, d1) -> (0)>
module attributes {stable_mosaic.version = 14 : i64} {
  func.func @k(%arg0: i32, %arg1: i32, %arg2: memref<2000000x64xf32, #tpu.memory_space<hbm>>, %arg3: memref<819200xi32, #tpu.memory_space<hbm>>, %arg4: memref<819200x128xf32, #tpu.memory_space<hbm>>, %arg5: memref<25600xi32, #tpu.memory_space<vmem>>, %arg6: memref<256xi32, #tpu.memory_space<vmem>>, %arg7: memref<256xi32, #tpu.memory_space<vmem>>, %arg8: memref<256xi32, #tpu.memory_space<vmem>>, %arg9: memref<256xi32, #tpu.memory_space<vmem>>, %arg10: memref<256xi32, #tpu.memory_space<vmem>>, %arg11: memref<256x64xf32, #tpu.memory_space<vmem>>, %arg12: memref<256x64xf32, #tpu.memory_space<vmem>>, %arg13: memref<256x64xf32, #tpu.memory_space<vmem>>, %arg14: memref<256x64xf32, #tpu.memory_space<vmem>>, %arg15: memref<256x64xf32, #tpu.memory_space<vmem>>, %arg16: memref<!tpu.dma_semaphore, #tpu.memory_space<semaphore_mem>>, %arg17: memref<!tpu.dma_semaphore, #tpu.memory_space<semaphore_mem>>, %arg18: memref<!tpu.dma_semaphore, #tpu.memory_space<semaphore_mem>>, %arg19: memref<!tpu.dma_semaphore, #tpu.memory_space<semaphore_mem>>, %arg20: memref<!tpu.dma_semaphore, #tpu.memory_space<semaphore_mem>>, %arg21: memref<!tpu.dma_semaphore, #tpu.memory_space<semaphore_mem>>, %arg22: memref<!tpu.dma_semaphore, #tpu.memory_space<semaphore_mem>>, %arg23: memref<!tpu.dma_semaphore, #tpu.memory_space<semaphore_mem>>, %arg24: memref<!tpu.dma_semaphore, #tpu.memory_space<semaphore_mem>>, %arg25: memref<!tpu.dma_semaphore, #tpu.memory_space<semaphore_mem>>) attributes {dimension_semantics = [#tpu.dimension_semantics<core_parallel>, #tpu.dimension_semantics<subcore_parallel>], iteration_bounds = array<i64: 2, 16>, scalar_prefetch = 0 : i64, scratch_operands = 21 : i64, tpu.core_type = #tpu.core_type<sc_vector_subcore>, window_params = [{transform_indices = #map}, {transform_indices = #map1}, {transform_indices = #map}]} {
    %mul3A = arith.constant 2 : i32
    %mul3A_0 = arith.muli %arg1, %mul3A : i32
    %add3A = arith.addi %mul3A_0, %arg0 : i32
    %mul3A_1 = arith.constant 25600 : i32
    %mul3A_2 = arith.muli %add3A, %mul3A_1 : i32
    "tpu.region"() ({
      %run_scoped3A = tpu.sem_alloc : memref<!tpu.dma_semaphore, #tpu.memory_space<semaphore_mem>>
      %dma_start3A_146 = tpu.memref_slice %arg3[%mul3A_2] : memref<819200xi32, #tpu.memory_space<hbm>> -> memref<25600xi32, #tpu.memory_space<hbm>>
      %dma_start3A_147 = tpu.memref_slice %arg3[%mul3A_2] : memref<819200xi32, #tpu.memory_space<hbm>> -> memref<25600xi32, #tpu.memory_space<hbm>>
      tpu.enqueue_dma source(%dma_start3A_147 : memref<25600xi32, #tpu.memory_space<hbm>>) target(%arg5 : memref<25600xi32, #tpu.memory_space<vmem>>) target_semaphore(%run_scoped3A : memref<!tpu.dma_semaphore, #tpu.memory_space<semaphore_mem>>)
      %dma_wait3A_148 = tpu.memref_slice %arg3[%mul3A_2] : memref<819200xi32, #tpu.memory_space<hbm>> -> memref<25600xi32, #tpu.memory_space<hbm>>
      %dma_wait3A_149 = tpu.memref_slice %arg3[%mul3A_2] : memref<819200xi32, #tpu.memory_space<hbm>> -> memref<25600xi32, #tpu.memory_space<hbm>>
      tpu.wait_dma2 semaphore(%run_scoped3A : memref<!tpu.dma_semaphore, #tpu.memory_space<semaphore_mem>>) src(%dma_wait3A_149 : memref<25600xi32, #tpu.memory_space<hbm>>) dst(%arg5 : memref<25600xi32, #tpu.memory_space<vmem>>)
      tpu.yield
    }) : () -> ()
    %scan3A = arith.constant 0 : i32
    %scan3A_3 = arith.constant 0 : i32
    %scan3A_4 = arith.constant 16 : i32
    %scan3A_5 = arith.addi %scan3A_3, %scan3A_4 : i32
    %scan3A_6 = arith.constant 1 : i32
    scf.for %scan3A_146 = %scan3A_3 to %scan3A_5 step %scan3A_6  : i32 {
      %mul3A_147 = arith.constant 16 : i32
      %mul3A_148 = arith.muli %scan3A_146, %mul3A_147 : i32
      %add3A_149 = arith.constant 0 : i32
      %add3A_150 = arith.addi %add3A_149, %mul3A_148 : i32
      %get3A = arith.index_cast %add3A_150 : i32 to index
      %get3A_151 = tpu.vector_load %arg5[%get3A] {strides = array<i32>} : memref<25600xi32, #tpu.memory_space<vmem>>, vector<16xi32>,
      %get3A_152 = vector.shape_cast %get3A_151 : vector<16xi32> to vector<16xi32>
      %eq3A = arith.constant 0 : i32
      %eq3A_153 = vector.broadcast %eq3A : i32 to vector<16xi32>
      %eq3A_154 = arith.cmpi eq, %get3A_152, %eq3A_153 : vector<16xi32>
      %mul3A_155 = arith.constant 2 : i32
      %mul3A_156 = vector.broadcast %mul3A_155 : i32 to vector<16xi32>
      %mul3A_157 = arith.muli %get3A_152, %mul3A_156 : vector<16xi32>
      %jit3A = arith.constant 1 : i32
      %broadcast_in_dim3A = vector.broadcast %jit3A : i32 to vector<16xi32>
      %select_n3A = arith.select %eq3A_154, %broadcast_in_dim3A, %mul3A_157 : vector<16xi1>, vector<16xi32>
      %mul3A_158 = arith.constant 16 : i32
      %mul3A_159 = arith.muli %scan3A_146, %mul3A_158 : i32
      %swap3A = arith.index_cast %mul3A_159 : i32 to index
      %swap3A_160 = tpu.vector_load %arg6[%swap3A] {strides = array<i32>} : memref<256xi32, #tpu.memory_space<vmem>>, vector<16xi32>,
      %swap3A_161 = vector.shape_cast %swap3A_160 : vector<16xi32> to vector<16xi32>
      %swap3A_162 = vector.shape_cast %select_n3A : vector<16xi32> to vector<16xi32>
      tpu.vector_store %arg6[%swap3A], %swap3A_162 {strides = array<i32>} : memref<256xi32, #tpu.memory_space<vmem>>, vector<16xi32>,
    }
    %scan3A_7 = arith.constant 16 : i32
    %dma_start3A = arith.constant 0 : i32
    %dma_start3A_8 = arith.constant 0 : i32
    %dma_start3A_9 = tpu.memref_slice %arg11[%dma_start3A, %dma_start3A_8] : memref<256x64xf32, #tpu.memory_space<vmem>> -> memref<128x64xf32, #tpu.memory_space<vmem>>
    %dma_start3A_10 = arith.constant 0 : i32
    %dma_start3A_11 = tpu.memref_slice %arg6[%dma_start3A_10] : memref<256xi32, #tpu.memory_space<vmem>> -> memref<128xi32, #tpu.memory_space<vmem>>
    %dma_start3A_12 = arith.constant 0 : i32
    %dma_start3A_13 = arith.constant 0 : i32
    %dma_start3A_14 = tpu.memref_slice %arg2[%dma_start3A_12, %dma_start3A_13] : memref<2000000x64xf32, #tpu.memory_space<hbm>> -> memref<2000000x64xf32, #tpu.memory_space<hbm>>
    tpu.enqueue_indirect_dma source(%dma_start3A_14 : memref<2000000x64xf32, #tpu.memory_space<hbm>>) target(%dma_start3A_9 : memref<128x64xf32, #tpu.memory_space<vmem>>) offsets(%dma_start3A_11 : memref<128xi32, #tpu.memory_space<vmem>>) semaphore(%arg16 : memref<!tpu.dma_semaphore, #tpu.memory_space<semaphore_mem>>)
    %dma_start3A_15 = arith.constant 128 : i32
    %dma_start3A_16 = arith.constant 0 : i32
    %dma_start3A_17 = tpu.memref_slice %arg11[%dma_start3A_15, %dma_start3A_16] : memref<256x64xf32, #tpu.memory_space<vmem>> -> memref<128x64xf32, #tpu.memory_space<vmem>>
    %dma_start3A_18 = arith.constant 128 : i32
    %dma_start3A_19 = tpu.memref_slice %arg6[%dma_start3A_18] : memref<256xi32, #tpu.memory_space<vmem>> -> memref<128xi32, #tpu.memory_space<vmem>>
    %dma_start3A_20 = arith.constant 0 : i32
    %dma_start3A_21 = arith.constant 0 : i32
    %dma_start3A_22 = tpu.memref_slice %arg2[%dma_start3A_20, %dma_start3A_21] : memref<2000000x64xf32, #tpu.memory_space<hbm>> -> memref<2000000x64xf32, #tpu.memory_space<hbm>>
    tpu.enqueue_indirect_dma source(%dma_start3A_22 : memref<2000000x64xf32, #tpu.memory_space<hbm>>) target(%dma_start3A_17 : memref<128x64xf32, #tpu.memory_space<vmem>>) offsets(%dma_start3A_19 : memref<128xi32, #tpu.memory_space<vmem>>) semaphore(%arg16 : memref<!tpu.dma_semaphore, #tpu.memory_space<semaphore_mem>>)
    %scan3A_23 = arith.constant 0 : i32
    %scan3A_24 = arith.constant 0 : i32
    %scan3A_25 = arith.constant 16 : i32
    %scan3A_26 = arith.addi %scan3A_24, %scan3A_25 : i32
    %scan3A_27 = arith.constant 1 : i32
    scf.for %scan3A_146 = %scan3A_24 to %scan3A_26 step %scan3A_27  : i32 {
      %mul3A_147 = arith.constant 16 : i32
      %mul3A_148 = arith.muli %scan3A_146, %mul3A_147 : i32
      %add3A_149 = arith.constant 256 : i32
      %add3A_150 = arith.addi %add3A_149, %mul3A_148 : i32
      %get3A = arith.index_cast %add3A_150 : i32 to index
      %get3A_151 = tpu.vector_load %arg5[%get3A] {strides = array<i32>} : memref<25600xi32, #tpu.memory_space<vmem>>, vector<16xi32>,
      %get3A_152 = vector.shape_cast %get3A_151 : vector<16xi32> to vector<16xi32>
      %eq3A = arith.constant 0 : i32
      %eq3A_153 = vector.broadcast %eq3A : i32 to vector<16xi32>
      %eq3A_154 = arith.cmpi eq, %get3A_152, %eq3A_153 : vector<16xi32>
      %mul3A_155 = arith.constant 2 : i32
      %mul3A_156 = vector.broadcast %mul3A_155 : i32 to vector<16xi32>
      %mul3A_157 = arith.muli %get3A_152, %mul3A_156 : vector<16xi32>
      %jit3A = arith.constant 1 : i32
      %broadcast_in_dim3A = vector.broadcast %jit3A : i32 to vector<16xi32>
      %select_n3A = arith.select %eq3A_154, %broadcast_in_dim3A, %mul3A_157 : vector<16xi1>, vector<16xi32>
      %mul3A_158 = arith.constant 16 : i32
      %mul3A_159 = arith.muli %scan3A_146, %mul3A_158 : i32
      %swap3A = arith.index_cast %mul3A_159 : i32 to index
      %swap3A_160 = tpu.vector_load %arg7[%swap3A] {strides = array<i32>} : memref<256xi32, #tpu.memory_space<vmem>>, vector<16xi32>,
      %swap3A_161 = vector.shape_cast %swap3A_160 : vector<16xi32> to vector<16xi32>
      %swap3A_162 = vector.shape_cast %select_n3A : vector<16xi32> to vector<16xi32>
      tpu.vector_store %arg7[%swap3A], %swap3A_162 {strides = array<i32>} : memref<256xi32, #tpu.memory_space<vmem>>, vector<16xi32>,
    }
    %scan3A_28 = arith.constant 16 : i32
    %dma_start3A_29 = arith.constant 0 : i32
    %dma_start3A_30 = arith.constant 0 : i32
    %dma_start3A_31 = tpu.memref_slice %arg12[%dma_start3A_29, %dma_start3A_30] : memref<256x64xf32, #tpu.memory_space<vmem>> -> memref<128x64xf32, #tpu.memory_space<vmem>>
    %dma_start3A_32 = arith.constant 0 : i32
    %dma_start3A_33 = tpu.memref_slice %arg7[%dma_start3A_32] : memref<256xi32, #tpu.memory_space<vmem>> -> memref<128xi32, #tpu.memory_space<vmem>>
    %dma_start3A_34 = arith.constant 0 : i32
    %dma_start3A_35 = arith.constant 0 : i32
    %dma_start3A_36 = tpu.memref_slice %arg2[%dma_start3A_34, %dma_start3A_35] : memref<2000000x64xf32, #tpu.memory_space<hbm>> -> memref<2000000x64xf32, #tpu.memory_space<hbm>>
    tpu.enqueue_indirect_dma source(%dma_start3A_36 : memref<2000000x64xf32, #tpu.memory_space<hbm>>) target(%dma_start3A_31 : memref<128x64xf32, #tpu.memory_space<vmem>>) offsets(%dma_start3A_33 : memref<128xi32, #tpu.memory_space<vmem>>) semaphore(%arg17 : memref<!tpu.dma_semaphore, #tpu.memory_space<semaphore_mem>>)
    %dma_start3A_37 = arith.constant 128 : i32
    %dma_start3A_38 = arith.constant 0 : i32
    %dma_start3A_39 = tpu.memref_slice %arg12[%dma_start3A_37, %dma_start3A_38] : memref<256x64xf32, #tpu.memory_space<vmem>> -> memref<128x64xf32, #tpu.memory_space<vmem>>
    %dma_start3A_40 = arith.constant 128 : i32
    %dma_start3A_41 = tpu.memref_slice %arg7[%dma_start3A_40] : memref<256xi32, #tpu.memory_space<vmem>> -> memref<128xi32, #tpu.memory_space<vmem>>
    %dma_start3A_42 = arith.constant 0 : i32
    %dma_start3A_43 = arith.constant 0 : i32
    %dma_start3A_44 = tpu.memref_slice %arg2[%dma_start3A_42, %dma_start3A_43] : memref<2000000x64xf32, #tpu.memory_space<hbm>> -> memref<2000000x64xf32, #tpu.memory_space<hbm>>
    tpu.enqueue_indirect_dma source(%dma_start3A_44 : memref<2000000x64xf32, #tpu.memory_space<hbm>>) target(%dma_start3A_39 : memref<128x64xf32, #tpu.memory_space<vmem>>) offsets(%dma_start3A_41 : memref<128xi32, #tpu.memory_space<vmem>>) semaphore(%arg17 : memref<!tpu.dma_semaphore, #tpu.memory_space<semaphore_mem>>)
    %scan3A_45 = arith.constant 0 : i32
    %scan3A_46 = arith.constant 0 : i32
    %scan3A_47 = arith.constant 16 : i32
    %scan3A_48 = arith.addi %scan3A_46, %scan3A_47 : i32
    %scan3A_49 = arith.constant 1 : i32
    scf.for %scan3A_146 = %scan3A_46 to %scan3A_48 step %scan3A_49  : i32 {
      %mul3A_147 = arith.constant 16 : i32
      %mul3A_148 = arith.muli %scan3A_146, %mul3A_147 : i32
      %add3A_149 = arith.constant 512 : i32
      %add3A_150 = arith.addi %add3A_149, %mul3A_148 : i32
      %get3A = arith.index_cast %add3A_150 : i32 to index
      %get3A_151 = tpu.vector_load %arg5[%get3A] {strides = array<i32>} : memref<25600xi32, #tpu.memory_space<vmem>>, vector<16xi32>,
      %get3A_152 = vector.shape_cast %get3A_151 : vector<16xi32> to vector<16xi32>
      %eq3A = arith.constant 0 : i32
      %eq3A_153 = vector.broadcast %eq3A : i32 to vector<16xi32>
      %eq3A_154 = arith.cmpi eq, %get3A_152, %eq3A_153 : vector<16xi32>
      %mul3A_155 = arith.constant 2 : i32
      %mul3A_156 = vector.broadcast %mul3A_155 : i32 to vector<16xi32>
      %mul3A_157 = arith.muli %get3A_152, %mul3A_156 : vector<16xi32>
      %jit3A = arith.constant 1 : i32
      %broadcast_in_dim3A = vector.broadcast %jit3A : i32 to vector<16xi32>
      %select_n3A = arith.select %eq3A_154, %broadcast_in_dim3A, %mul3A_157 : vector<16xi1>, vector<16xi32>
      %mul3A_158 = arith.constant 16 : i32
      %mul3A_159 = arith.muli %scan3A_146, %mul3A_158 : i32
      %swap3A = arith.index_cast %mul3A_159 : i32 to index
      %swap3A_160 = tpu.vector_load %arg8[%swap3A] {strides = array<i32>} : memref<256xi32, #tpu.memory_space<vmem>>, vector<16xi32>,
      %swap3A_161 = vector.shape_cast %swap3A_160 : vector<16xi32> to vector<16xi32>
      %swap3A_162 = vector.shape_cast %select_n3A : vector<16xi32> to vector<16xi32>
      tpu.vector_store %arg8[%swap3A], %swap3A_162 {strides = array<i32>} : memref<256xi32, #tpu.memory_space<vmem>>, vector<16xi32>,
    }
    %scan3A_50 = arith.constant 16 : i32
    %dma_start3A_51 = arith.constant 0 : i32
    %dma_start3A_52 = arith.constant 0 : i32
    %dma_start3A_53 = tpu.memref_slice %arg13[%dma_start3A_51, %dma_start3A_52] : memref<256x64xf32, #tpu.memory_space<vmem>> -> memref<128x64xf32, #tpu.memory_space<vmem>>
    %dma_start3A_54 = arith.constant 0 : i32
    %dma_start3A_55 = tpu.memref_slice %arg8[%dma_start3A_54] : memref<256xi32, #tpu.memory_space<vmem>> -> memref<128xi32, #tpu.memory_space<vmem>>
    %dma_start3A_56 = arith.constant 0 : i32
    %dma_start3A_57 = arith.constant 0 : i32
    %dma_start3A_58 = tpu.memref_slice %arg2[%dma_start3A_56, %dma_start3A_57] : memref<2000000x64xf32, #tpu.memory_space<hbm>> -> memref<2000000x64xf32, #tpu.memory_space<hbm>>
    tpu.enqueue_indirect_dma source(%dma_start3A_58 : memref<2000000x64xf32, #tpu.memory_space<hbm>>) target(%dma_start3A_53 : memref<128x64xf32, #tpu.memory_space<vmem>>) offsets(%dma_start3A_55 : memref<128xi32, #tpu.memory_space<vmem>>) semaphore(%arg18 : memref<!tpu.dma_semaphore, #tpu.memory_space<semaphore_mem>>)
    %dma_start3A_59 = arith.constant 128 : i32
    %dma_start3A_60 = arith.constant 0 : i32
    %dma_start3A_61 = tpu.memref_slice %arg13[%dma_start3A_59, %dma_start3A_60] : memref<256x64xf32, #tpu.memory_space<vmem>> -> memref<128x64xf32, #tpu.memory_space<vmem>>
    %dma_start3A_62 = arith.constant 128 : i32
    %dma_start3A_63 = tpu.memref_slice %arg8[%dma_start3A_62] : memref<256xi32, #tpu.memory_space<vmem>> -> memref<128xi32, #tpu.memory_space<vmem>>
    %dma_start3A_64 = arith.constant 0 : i32
    %dma_start3A_65 = arith.constant 0 : i32
    %dma_start3A_66 = tpu.memref_slice %arg2[%dma_start3A_64, %dma_start3A_65] : memref<2000000x64xf32, #tpu.memory_space<hbm>> -> memref<2000000x64xf32, #tpu.memory_space<hbm>>
    tpu.enqueue_indirect_dma source(%dma_start3A_66 : memref<2000000x64xf32, #tpu.memory_space<hbm>>) target(%dma_start3A_61 : memref<128x64xf32, #tpu.memory_space<vmem>>) offsets(%dma_start3A_63 : memref<128xi32, #tpu.memory_space<vmem>>) semaphore(%arg18 : memref<!tpu.dma_semaphore, #tpu.memory_space<semaphore_mem>>)
    %scan3A_67 = arith.constant 0 : i32
    %scan3A_68 = arith.constant 0 : i32
    %scan3A_69 = arith.constant 16 : i32
    %scan3A_70 = arith.addi %scan3A_68, %scan3A_69 : i32
    %scan3A_71 = arith.constant 1 : i32
    scf.for %scan3A_146 = %scan3A_68 to %scan3A_70 step %scan3A_71  : i32 {
      %mul3A_147 = arith.constant 16 : i32
      %mul3A_148 = arith.muli %scan3A_146, %mul3A_147 : i32
      %add3A_149 = arith.constant 768 : i32
      %add3A_150 = arith.addi %add3A_149, %mul3A_148 : i32
      %get3A = arith.index_cast %add3A_150 : i32 to index
      %get3A_151 = tpu.vector_load %arg5[%get3A] {strides = array<i32>} : memref<25600xi32, #tpu.memory_space<vmem>>, vector<16xi32>,
      %get3A_152 = vector.shape_cast %get3A_151 : vector<16xi32> to vector<16xi32>
      %eq3A = arith.constant 0 : i32
      %eq3A_153 = vector.broadcast %eq3A : i32 to vector<16xi32>
      %eq3A_154 = arith.cmpi eq, %get3A_152, %eq3A_153 : vector<16xi32>
      %mul3A_155 = arith.constant 2 : i32
      %mul3A_156 = vector.broadcast %mul3A_155 : i32 to vector<16xi32>
      %mul3A_157 = arith.muli %get3A_152, %mul3A_156 : vector<16xi32>
      %jit3A = arith.constant 1 : i32
      %broadcast_in_dim3A = vector.broadcast %jit3A : i32 to vector<16xi32>
      %select_n3A = arith.select %eq3A_154, %broadcast_in_dim3A, %mul3A_157 : vector<16xi1>, vector<16xi32>
      %mul3A_158 = arith.constant 16 : i32
      %mul3A_159 = arith.muli %scan3A_146, %mul3A_158 : i32
      %swap3A = arith.index_cast %mul3A_159 : i32 to index
      %swap3A_160 = tpu.vector_load %arg9[%swap3A] {strides = array<i32>} : memref<256xi32, #tpu.memory_space<vmem>>, vector<16xi32>,
      %swap3A_161 = vector.shape_cast %swap3A_160 : vector<16xi32> to vector<16xi32>
      %swap3A_162 = vector.shape_cast %select_n3A : vector<16xi32> to vector<16xi32>
      tpu.vector_store %arg9[%swap3A], %swap3A_162 {strides = array<i32>} : memref<256xi32, #tpu.memory_space<vmem>>, vector<16xi32>,
    }
    %scan3A_72 = arith.constant 16 : i32
    %dma_start3A_73 = arith.constant 0 : i32
    %dma_start3A_74 = arith.constant 0 : i32
    %dma_start3A_75 = tpu.memref_slice %arg14[%dma_start3A_73, %dma_start3A_74] : memref<256x64xf32, #tpu.memory_space<vmem>> -> memref<128x64xf32, #tpu.memory_space<vmem>>
    %dma_start3A_76 = arith.constant 0 : i32
    %dma_start3A_77 = tpu.memref_slice %arg9[%dma_start3A_76] : memref<256xi32, #tpu.memory_space<vmem>> -> memref<128xi32, #tpu.memory_space<vmem>>
    %dma_start3A_78 = arith.constant 0 : i32
    %dma_start3A_79 = arith.constant 0 : i32
    %dma_start3A_80 = tpu.memref_slice %arg2[%dma_start3A_78, %dma_start3A_79] : memref<2000000x64xf32, #tpu.memory_space<hbm>> -> memref<2000000x64xf32, #tpu.memory_space<hbm>>
    tpu.enqueue_indirect_dma source(%dma_start3A_80 : memref<2000000x64xf32, #tpu.memory_space<hbm>>) target(%dma_start3A_75 : memref<128x64xf32, #tpu.memory_space<vmem>>) offsets(%dma_start3A_77 : memref<128xi32, #tpu.memory_space<vmem>>) semaphore(%arg19 : memref<!tpu.dma_semaphore, #tpu.memory_space<semaphore_mem>>)
    %dma_start3A_81 = arith.constant 128 : i32
    %dma_start3A_82 = arith.constant 0 : i32
    %dma_start3A_83 = tpu.memref_slice %arg14[%dma_start3A_81, %dma_start3A_82] : memref<256x64xf32, #tpu.memory_space<vmem>> -> memref<128x64xf32, #tpu.memory_space<vmem>>
    %dma_start3A_84 = arith.constant 128 : i32
    %dma_start3A_85 = tpu.memref_slice %arg9[%dma_start3A_84] : memref<256xi32, #tpu.memory_space<vmem>> -> memref<128xi32, #tpu.memory_space<vmem>>
    %dma_start3A_86 = arith.constant 0 : i32
    %dma_start3A_87 = arith.constant 0 : i32
    %dma_start3A_88 = tpu.memref_slice %arg2[%dma_start3A_86, %dma_start3A_87] : memref<2000000x64xf32, #tpu.memory_space<hbm>> -> memref<2000000x64xf32, #tpu.memory_space<hbm>>
    tpu.enqueue_indirect_dma source(%dma_start3A_88 : memref<2000000x64xf32, #tpu.memory_space<hbm>>) target(%dma_start3A_83 : memref<128x64xf32, #tpu.memory_space<vmem>>) offsets(%dma_start3A_85 : memref<128xi32, #tpu.memory_space<vmem>>) semaphore(%arg19 : memref<!tpu.dma_semaphore, #tpu.memory_space<semaphore_mem>>)
    %scan3A_89 = arith.constant 0 : i32
    %scan3A_90 = arith.constant 0 : i32
    %scan3A_91 = arith.constant 16 : i32
    %scan3A_92 = arith.addi %scan3A_90, %scan3A_91 : i32
    %scan3A_93 = arith.constant 1 : i32
    scf.for %scan3A_146 = %scan3A_90 to %scan3A_92 step %scan3A_93  : i32 {
      %mul3A_147 = arith.constant 16 : i32
      %mul3A_148 = arith.muli %scan3A_146, %mul3A_147 : i32
      %add3A_149 = arith.constant 1024 : i32
      %add3A_150 = arith.addi %add3A_149, %mul3A_148 : i32
      %get3A = arith.index_cast %add3A_150 : i32 to index
      %get3A_151 = tpu.vector_load %arg5[%get3A] {strides = array<i32>} : memref<25600xi32, #tpu.memory_space<vmem>>, vector<16xi32>,
      %get3A_152 = vector.shape_cast %get3A_151 : vector<16xi32> to vector<16xi32>
      %eq3A = arith.constant 0 : i32
      %eq3A_153 = vector.broadcast %eq3A : i32 to vector<16xi32>
      %eq3A_154 = arith.cmpi eq, %get3A_152, %eq3A_153 : vector<16xi32>
      %mul3A_155 = arith.constant 2 : i32
      %mul3A_156 = vector.broadcast %mul3A_155 : i32 to vector<16xi32>
      %mul3A_157 = arith.muli %get3A_152, %mul3A_156 : vector<16xi32>
      %jit3A = arith.constant 1 : i32
      %broadcast_in_dim3A = vector.broadcast %jit3A : i32 to vector<16xi32>
      %select_n3A = arith.select %eq3A_154, %broadcast_in_dim3A, %mul3A_157 : vector<16xi1>, vector<16xi32>
      %mul3A_158 = arith.constant 16 : i32
      %mul3A_159 = arith.muli %scan3A_146, %mul3A_158 : i32
      %swap3A = arith.index_cast %mul3A_159 : i32 to index
      %swap3A_160 = tpu.vector_load %arg10[%swap3A] {strides = array<i32>} : memref<256xi32, #tpu.memory_space<vmem>>, vector<16xi32>,
      %swap3A_161 = vector.shape_cast %swap3A_160 : vector<16xi32> to vector<16xi32>
      %swap3A_162 = vector.shape_cast %select_n3A : vector<16xi32> to vector<16xi32>
      tpu.vector_store %arg10[%swap3A], %swap3A_162 {strides = array<i32>} : memref<256xi32, #tpu.memory_space<vmem>>, vector<16xi32>,
    }
    %scan3A_94 = arith.constant 16 : i32
    %dma_start3A_95 = arith.constant 0 : i32
    %dma_start3A_96 = arith.constant 0 : i32
    %dma_start3A_97 = tpu.memref_slice %arg15[%dma_start3A_95, %dma_start3A_96] : memref<256x64xf32, #tpu.memory_space<vmem>> -> memref<128x64xf32, #tpu.memory_space<vmem>>
    %dma_start3A_98 = arith.constant 0 : i32
    %dma_start3A_99 = tpu.memref_slice %arg10[%dma_start3A_98] : memref<256xi32, #tpu.memory_space<vmem>> -> memref<128xi32, #tpu.memory_space<vmem>>
    %dma_start3A_100 = arith.constant 0 : i32
    %dma_start3A_101 = arith.constant 0 : i32
    %dma_start3A_102 = tpu.memref_slice %arg2[%dma_start3A_100, %dma_start3A_101] : memref<2000000x64xf32, #tpu.memory_space<hbm>> -> memref<2000000x64xf32, #tpu.memory_space<hbm>>
    tpu.enqueue_indirect_dma source(%dma_start3A_102 : memref<2000000x64xf32, #tpu.memory_space<hbm>>) target(%dma_start3A_97 : memref<128x64xf32, #tpu.memory_space<vmem>>) offsets(%dma_start3A_99 : memref<128xi32, #tpu.memory_space<vmem>>) semaphore(%arg20 : memref<!tpu.dma_semaphore, #tpu.memory_space<semaphore_mem>>)
    %dma_start3A_103 = arith.constant 128 : i32
    %dma_start3A_104 = arith.constant 0 : i32
    %dma_start3A_105 = tpu.memref_slice %arg15[%dma_start3A_103, %dma_start3A_104] : memref<256x64xf32, #tpu.memory_space<vmem>> -> memref<128x64xf32, #tpu.memory_space<vmem>>
    %dma_start3A_106 = arith.constant 128 : i32
    %dma_start3A_107 = tpu.memref_slice %arg10[%dma_start3A_106] : memref<256xi32, #tpu.memory_space<vmem>> -> memref<128xi32, #tpu.memory_space<vmem>>
    %dma_start3A_108 = arith.constant 0 : i32
    %dma_start3A_109 = arith.constant 0 : i32
    %dma_start3A_110 = tpu.memref_slice %arg2[%dma_start3A_108, %dma_start3A_109] : memref<2000000x64xf32, #tpu.memory_space<hbm>> -> memref<2000000x64xf32, #tpu.memory_space<hbm>>
    tpu.enqueue_indirect_dma source(%dma_start3A_110 : memref<2000000x64xf32, #tpu.memory_space<hbm>>) target(%dma_start3A_105 : memref<128x64xf32, #tpu.memory_space<vmem>>) offsets(%dma_start3A_107 : memref<128xi32, #tpu.memory_space<vmem>>) semaphore(%arg20 : memref<!tpu.dma_semaphore, #tpu.memory_space<semaphore_mem>>)
    %scan3A_111 = arith.constant 0 : i32
    %scan3A_112 = arith.constant 0 : i32
    %scan3A_113 = arith.constant 20 : i32
    %scan3A_114 = arith.addi %scan3A_112, %scan3A_113 : i32
    %scan3A_115 = arith.constant 1 : i32
    scf.for %scan3A_146 = %scan3A_112 to %scan3A_114 step %scan3A_115  : i32 {
      %mul3A_147 = arith.constant 5 : i32
      %mul3A_148 = arith.muli %scan3A_146, %mul3A_147 : i32
      %add3A_149 = arith.constant 0 : i32
      %add3A_150 = arith.addi %mul3A_148, %add3A_149 : i32
      %dma_wait3A_151 = arith.constant 0 : i32
      %dma_wait3A_152 = arith.constant 0 : i32
      %dma_wait3A_153 = tpu.memref_slice %arg2[%dma_wait3A_151, %dma_wait3A_152] : memref<2000000x64xf32, #tpu.memory_space<hbm>> -> memref<256x64xf32, #tpu.memory_space<hbm>>
      %dma_wait3A_154 = arith.constant 0 : i32
      %dma_wait3A_155 = arith.constant 0 : i32
      %dma_wait3A_156 = tpu.memref_slice %arg2[%dma_wait3A_154, %dma_wait3A_155] : memref<2000000x64xf32, #tpu.memory_space<hbm>> -> memref<256x64xf32, #tpu.memory_space<hbm>>
      tpu.wait_dma2 semaphore(%arg16 : memref<!tpu.dma_semaphore, #tpu.memory_space<semaphore_mem>>) src(%dma_wait3A_156 : memref<256x64xf32, #tpu.memory_space<hbm>>) dst(%arg11 : memref<256x64xf32, #tpu.memory_space<vmem>>)
      %mul3A_157 = arith.constant 256 : i32
      %mul3A_158 = arith.muli %add3A_150, %mul3A_157 : i32
      %add3A_159 = arith.addi %mul3A_2, %mul3A_158 : i32
      %dma_start3A_160 = arith.constant 0 : i32
      %dma_start3A_161 = tpu.memref_slice %arg4[%add3A_159, %dma_start3A_160] : memref<819200x128xf32, #tpu.memory_space<hbm>> -> memref<256x64xf32, #tpu.memory_space<hbm>>
      %dma_start3A_162 = arith.constant 0 : i32
      %dma_start3A_163 = tpu.memref_slice %arg4[%add3A_159, %dma_start3A_162] : memref<819200x128xf32, #tpu.memory_space<hbm>> -> memref<256x64xf32, #tpu.memory_space<hbm>>
      tpu.enqueue_dma source(%arg11 : memref<256x64xf32, #tpu.memory_space<vmem>>) target(%dma_start3A_163 : memref<256x64xf32, #tpu.memory_space<hbm>>) target_semaphore(%arg21 : memref<!tpu.dma_semaphore, #tpu.memory_space<semaphore_mem>>)
      %add3A_164 = arith.constant 5 : i32
      %add3A_165 = arith.addi %add3A_150, %add3A_164 : i32
      %lt3A = arith.constant 100 : i32
      %lt3A_166 = arith.cmpi slt, %add3A_165, %lt3A : i32
      %convert_element_type3A = arith.extui %lt3A_166 : i1 to i32
      %cond3A = arith.constant 0 : i32
      %cond3A_167 = arith.cmpi ne, %convert_element_type3A, %cond3A : i32
      scf.if %cond3A_167 {
        %dma_wait3A_264 = arith.constant 0 : i32
        %dma_wait3A_265 = arith.constant 0 : i32
        %dma_wait3A_266 = tpu.memref_slice %arg4[%dma_wait3A_264, %dma_wait3A_265] : memref<819200x128xf32, #tpu.memory_space<hbm>> -> memref<256x64xf32, #tpu.memory_space<hbm>>
        %dma_wait3A_267 = arith.constant 0 : i32
        %dma_wait3A_268 = arith.constant 0 : i32
        %dma_wait3A_269 = tpu.memref_slice %arg4[%dma_wait3A_267, %dma_wait3A_268] : memref<819200x128xf32, #tpu.memory_space<hbm>> -> memref<256x64xf32, #tpu.memory_space<hbm>>
        tpu.wait_dma2 semaphore(%arg21 : memref<!tpu.dma_semaphore, #tpu.memory_space<semaphore_mem>>) src(%arg11 : memref<256x64xf32, #tpu.memory_space<vmem>>) dst(%dma_wait3A_269 : memref<256x64xf32, #tpu.memory_space<hbm>>)
        %add3A_270 = arith.constant 5 : i32
        %add3A_271 = arith.addi %add3A_150, %add3A_270 : i32
        %mul3A_272 = arith.constant 256 : i32
        %mul3A_273 = arith.muli %add3A_271, %mul3A_272 : i32
        %scan3A_274 = arith.constant 0 : i32
        %scan3A_275 = arith.constant 0 : i32
        %scan3A_276 = arith.constant 16 : i32
        %scan3A_277 = arith.addi %scan3A_275, %scan3A_276 : i32
        %scan3A_278 = arith.constant 1 : i32
        scf.for %scan3A_296 = %scan3A_275 to %scan3A_277 step %scan3A_278  : i32 {
          %mul3A_297 = arith.constant 16 : i32
          %mul3A_298 = arith.muli %scan3A_296, %mul3A_297 : i32
          %add3A_299 = arith.addi %mul3A_273, %mul3A_298 : i32
          %get3A = arith.index_cast %add3A_299 : i32 to index
          %get3A_300 = tpu.vector_load %arg5[%get3A] {strides = array<i32>} : memref<25600xi32, #tpu.memory_space<vmem>>, vector<16xi32>,
          %get3A_301 = vector.shape_cast %get3A_300 : vector<16xi32> to vector<16xi32>
          %eq3A = arith.constant 0 : i32
          %eq3A_302 = vector.broadcast %eq3A : i32 to vector<16xi32>
          %eq3A_303 = arith.cmpi eq, %get3A_301, %eq3A_302 : vector<16xi32>
          %mul3A_304 = arith.constant 2 : i32
          %mul3A_305 = vector.broadcast %mul3A_304 : i32 to vector<16xi32>
          %mul3A_306 = arith.muli %get3A_301, %mul3A_305 : vector<16xi32>
          %jit3A = arith.constant 1 : i32
          %broadcast_in_dim3A = vector.broadcast %jit3A : i32 to vector<16xi32>
          %select_n3A = arith.select %eq3A_303, %broadcast_in_dim3A, %mul3A_306 : vector<16xi1>, vector<16xi32>
          %mul3A_307 = arith.constant 16 : i32
          %mul3A_308 = arith.muli %scan3A_296, %mul3A_307 : i32
          %swap3A = arith.index_cast %mul3A_308 : i32 to index
          %swap3A_309 = tpu.vector_load %arg6[%swap3A] {strides = array<i32>} : memref<256xi32, #tpu.memory_space<vmem>>, vector<16xi32>,
          %swap3A_310 = vector.shape_cast %swap3A_309 : vector<16xi32> to vector<16xi32>
          %swap3A_311 = vector.shape_cast %select_n3A : vector<16xi32> to vector<16xi32>
          tpu.vector_store %arg6[%swap3A], %swap3A_311 {strides = array<i32>} : memref<256xi32, #tpu.memory_space<vmem>>, vector<16xi32>,
        }
        %scan3A_279 = arith.constant 16 : i32
        %dma_start3A_280 = arith.constant 0 : i32
        %dma_start3A_281 = arith.constant 0 : i32
        %dma_start3A_282 = tpu.memref_slice %arg11[%dma_start3A_280, %dma_start3A_281] : memref<256x64xf32, #tpu.memory_space<vmem>> -> memref<128x64xf32, #tpu.memory_space<vmem>>
        %dma_start3A_283 = arith.constant 0 : i32
        %dma_start3A_284 = tpu.memref_slice %arg6[%dma_start3A_283] : memref<256xi32, #tpu.memory_space<vmem>> -> memref<128xi32, #tpu.memory_space<vmem>>
        %dma_start3A_285 = arith.constant 0 : i32
        %dma_start3A_286 = arith.constant 0 : i32
        %dma_start3A_287 = tpu.memref_slice %arg2[%dma_start3A_285, %dma_start3A_286] : memref<2000000x64xf32, #tpu.memory_space<hbm>> -> memref<2000000x64xf32, #tpu.memory_space<hbm>>
        tpu.enqueue_indirect_dma source(%dma_start3A_287 : memref<2000000x64xf32, #tpu.memory_space<hbm>>) target(%dma_start3A_282 : memref<128x64xf32, #tpu.memory_space<vmem>>) offsets(%dma_start3A_284 : memref<128xi32, #tpu.memory_space<vmem>>) semaphore(%arg16 : memref<!tpu.dma_semaphore, #tpu.memory_space<semaphore_mem>>)
        %dma_start3A_288 = arith.constant 128 : i32
        %dma_start3A_289 = arith.constant 0 : i32
        %dma_start3A_290 = tpu.memref_slice %arg11[%dma_start3A_288, %dma_start3A_289] : memref<256x64xf32, #tpu.memory_space<vmem>> -> memref<128x64xf32, #tpu.memory_space<vmem>>
        %dma_start3A_291 = arith.constant 128 : i32
        %dma_start3A_292 = tpu.memref_slice %arg6[%dma_start3A_291] : memref<256xi32, #tpu.memory_space<vmem>> -> memref<128xi32, #tpu.memory_space<vmem>>
        %dma_start3A_293 = arith.constant 0 : i32
        %dma_start3A_294 = arith.constant 0 : i32
        %dma_start3A_295 = tpu.memref_slice %arg2[%dma_start3A_293, %dma_start3A_294] : memref<2000000x64xf32, #tpu.memory_space<hbm>> -> memref<2000000x64xf32, #tpu.memory_space<hbm>>
        tpu.enqueue_indirect_dma source(%dma_start3A_295 : memref<2000000x64xf32, #tpu.memory_space<hbm>>) target(%dma_start3A_290 : memref<128x64xf32, #tpu.memory_space<vmem>>) offsets(%dma_start3A_292 : memref<128xi32, #tpu.memory_space<vmem>>) semaphore(%arg16 : memref<!tpu.dma_semaphore, #tpu.memory_space<semaphore_mem>>)
      } else {
      }
      %mul3A_168 = arith.constant 5 : i32
      %mul3A_169 = arith.muli %scan3A_146, %mul3A_168 : i32
      %add3A_170 = arith.constant 1 : i32
      %add3A_171 = arith.addi %mul3A_169, %add3A_170 : i32
      %dma_wait3A_172 = arith.constant 0 : i32
      %dma_wait3A_173 = arith.constant 0 : i32
      %dma_wait3A_174 = tpu.memref_slice %arg2[%dma_wait3A_172, %dma_wait3A_173] : memref<2000000x64xf32, #tpu.memory_space<hbm>> -> memref<256x64xf32, #tpu.memory_space<hbm>>
      %dma_wait3A_175 = arith.constant 0 : i32
      %dma_wait3A_176 = arith.constant 0 : i32
      %dma_wait3A_177 = tpu.memref_slice %arg2[%dma_wait3A_175, %dma_wait3A_176] : memref<2000000x64xf32, #tpu.memory_space<hbm>> -> memref<256x64xf32, #tpu.memory_space<hbm>>
      tpu.wait_dma2 semaphore(%arg17 : memref<!tpu.dma_semaphore, #tpu.memory_space<semaphore_mem>>) src(%dma_wait3A_177 : memref<256x64xf32, #tpu.memory_space<hbm>>) dst(%arg12 : memref<256x64xf32, #tpu.memory_space<vmem>>)
      %mul3A_178 = arith.constant 256 : i32
      %mul3A_179 = arith.muli %add3A_171, %mul3A_178 : i32
      %add3A_180 = arith.addi %mul3A_2, %mul3A_179 : i32
      %dma_start3A_181 = arith.constant 0 : i32
      %dma_start3A_182 = tpu.memref_slice %arg4[%add3A_180, %dma_start3A_181] : memref<819200x128xf32, #tpu.memory_space<hbm>> -> memref<256x64xf32, #tpu.memory_space<hbm>>
      %dma_start3A_183 = arith.constant 0 : i32
      %dma_start3A_184 = tpu.memref_slice %arg4[%add3A_180, %dma_start3A_183] : memref<819200x128xf32, #tpu.memory_space<hbm>> -> memref<256x64xf32, #tpu.memory_space<hbm>>
      tpu.enqueue_dma source(%arg12 : memref<256x64xf32, #tpu.memory_space<vmem>>) target(%dma_start3A_184 : memref<256x64xf32, #tpu.memory_space<hbm>>) target_semaphore(%arg22 : memref<!tpu.dma_semaphore, #tpu.memory_space<semaphore_mem>>)
      %add3A_185 = arith.constant 5 : i32
      %add3A_186 = arith.addi %add3A_171, %add3A_185 : i32
      %lt3A_187 = arith.constant 100 : i32
      %lt3A_188 = arith.cmpi slt, %add3A_186, %lt3A_187 : i32
      %convert_element_type3A_189 = arith.extui %lt3A_188 : i1 to i32
      %cond3A_190 = arith.constant 0 : i32
      %cond3A_191 = arith.cmpi ne, %convert_element_type3A_189, %cond3A_190 : i32
      scf.if %cond3A_191 {
        %dma_wait3A_264 = arith.constant 0 : i32
        %dma_wait3A_265 = arith.constant 0 : i32
        %dma_wait3A_266 = tpu.memref_slice %arg4[%dma_wait3A_264, %dma_wait3A_265] : memref<819200x128xf32, #tpu.memory_space<hbm>> -> memref<256x64xf32, #tpu.memory_space<hbm>>
        %dma_wait3A_267 = arith.constant 0 : i32
        %dma_wait3A_268 = arith.constant 0 : i32
        %dma_wait3A_269 = tpu.memref_slice %arg4[%dma_wait3A_267, %dma_wait3A_268] : memref<819200x128xf32, #tpu.memory_space<hbm>> -> memref<256x64xf32, #tpu.memory_space<hbm>>
        tpu.wait_dma2 semaphore(%arg22 : memref<!tpu.dma_semaphore, #tpu.memory_space<semaphore_mem>>) src(%arg12 : memref<256x64xf32, #tpu.memory_space<vmem>>) dst(%dma_wait3A_269 : memref<256x64xf32, #tpu.memory_space<hbm>>)
        %add3A_270 = arith.constant 5 : i32
        %add3A_271 = arith.addi %add3A_171, %add3A_270 : i32
        %mul3A_272 = arith.constant 256 : i32
        %mul3A_273 = arith.muli %add3A_271, %mul3A_272 : i32
        %scan3A_274 = arith.constant 0 : i32
        %scan3A_275 = arith.constant 0 : i32
        %scan3A_276 = arith.constant 16 : i32
        %scan3A_277 = arith.addi %scan3A_275, %scan3A_276 : i32
        %scan3A_278 = arith.constant 1 : i32
        scf.for %scan3A_296 = %scan3A_275 to %scan3A_277 step %scan3A_278  : i32 {
          %mul3A_297 = arith.constant 16 : i32
          %mul3A_298 = arith.muli %scan3A_296, %mul3A_297 : i32
          %add3A_299 = arith.addi %mul3A_273, %mul3A_298 : i32
          %get3A = arith.index_cast %add3A_299 : i32 to index
          %get3A_300 = tpu.vector_load %arg5[%get3A] {strides = array<i32>} : memref<25600xi32, #tpu.memory_space<vmem>>, vector<16xi32>,
          %get3A_301 = vector.shape_cast %get3A_300 : vector<16xi32> to vector<16xi32>
          %eq3A = arith.constant 0 : i32
          %eq3A_302 = vector.broadcast %eq3A : i32 to vector<16xi32>
          %eq3A_303 = arith.cmpi eq, %get3A_301, %eq3A_302 : vector<16xi32>
          %mul3A_304 = arith.constant 2 : i32
          %mul3A_305 = vector.broadcast %mul3A_304 : i32 to vector<16xi32>
          %mul3A_306 = arith.muli %get3A_301, %mul3A_305 : vector<16xi32>
          %jit3A = arith.constant 1 : i32
          %broadcast_in_dim3A = vector.broadcast %jit3A : i32 to vector<16xi32>
          %select_n3A = arith.select %eq3A_303, %broadcast_in_dim3A, %mul3A_306 : vector<16xi1>, vector<16xi32>
          %mul3A_307 = arith.constant 16 : i32
          %mul3A_308 = arith.muli %scan3A_296, %mul3A_307 : i32
          %swap3A = arith.index_cast %mul3A_308 : i32 to index
          %swap3A_309 = tpu.vector_load %arg7[%swap3A] {strides = array<i32>} : memref<256xi32, #tpu.memory_space<vmem>>, vector<16xi32>,
          %swap3A_310 = vector.shape_cast %swap3A_309 : vector<16xi32> to vector<16xi32>
          %swap3A_311 = vector.shape_cast %select_n3A : vector<16xi32> to vector<16xi32>
          tpu.vector_store %arg7[%swap3A], %swap3A_311 {strides = array<i32>} : memref<256xi32, #tpu.memory_space<vmem>>, vector<16xi32>,
        }
        %scan3A_279 = arith.constant 16 : i32
        %dma_start3A_280 = arith.constant 0 : i32
        %dma_start3A_281 = arith.constant 0 : i32
        %dma_start3A_282 = tpu.memref_slice %arg12[%dma_start3A_280, %dma_start3A_281] : memref<256x64xf32, #tpu.memory_space<vmem>> -> memref<128x64xf32, #tpu.memory_space<vmem>>
        %dma_start3A_283 = arith.constant 0 : i32
        %dma_start3A_284 = tpu.memref_slice %arg7[%dma_start3A_283] : memref<256xi32, #tpu.memory_space<vmem>> -> memref<128xi32, #tpu.memory_space<vmem>>
        %dma_start3A_285 = arith.constant 0 : i32
        %dma_start3A_286 = arith.constant 0 : i32
        %dma_start3A_287 = tpu.memref_slice %arg2[%dma_start3A_285, %dma_start3A_286] : memref<2000000x64xf32, #tpu.memory_space<hbm>> -> memref<2000000x64xf32, #tpu.memory_space<hbm>>
        tpu.enqueue_indirect_dma source(%dma_start3A_287 : memref<2000000x64xf32, #tpu.memory_space<hbm>>) target(%dma_start3A_282 : memref<128x64xf32, #tpu.memory_space<vmem>>) offsets(%dma_start3A_284 : memref<128xi32, #tpu.memory_space<vmem>>) semaphore(%arg17 : memref<!tpu.dma_semaphore, #tpu.memory_space<semaphore_mem>>)
        %dma_start3A_288 = arith.constant 128 : i32
        %dma_start3A_289 = arith.constant 0 : i32
        %dma_start3A_290 = tpu.memref_slice %arg12[%dma_start3A_288, %dma_start3A_289] : memref<256x64xf32, #tpu.memory_space<vmem>> -> memref<128x64xf32, #tpu.memory_space<vmem>>
        %dma_start3A_291 = arith.constant 128 : i32
        %dma_start3A_292 = tpu.memref_slice %arg7[%dma_start3A_291] : memref<256xi32, #tpu.memory_space<vmem>> -> memref<128xi32, #tpu.memory_space<vmem>>
        %dma_start3A_293 = arith.constant 0 : i32
        %dma_start3A_294 = arith.constant 0 : i32
        %dma_start3A_295 = tpu.memref_slice %arg2[%dma_start3A_293, %dma_start3A_294] : memref<2000000x64xf32, #tpu.memory_space<hbm>> -> memref<2000000x64xf32, #tpu.memory_space<hbm>>
        tpu.enqueue_indirect_dma source(%dma_start3A_295 : memref<2000000x64xf32, #tpu.memory_space<hbm>>) target(%dma_start3A_290 : memref<128x64xf32, #tpu.memory_space<vmem>>) offsets(%dma_start3A_292 : memref<128xi32, #tpu.memory_space<vmem>>) semaphore(%arg17 : memref<!tpu.dma_semaphore, #tpu.memory_space<semaphore_mem>>)
      } else {
      }
      %mul3A_192 = arith.constant 5 : i32
      %mul3A_193 = arith.muli %scan3A_146, %mul3A_192 : i32
      %add3A_194 = arith.constant 2 : i32
      %add3A_195 = arith.addi %mul3A_193, %add3A_194 : i32
      %dma_wait3A_196 = arith.constant 0 : i32
      %dma_wait3A_197 = arith.constant 0 : i32
      %dma_wait3A_198 = tpu.memref_slice %arg2[%dma_wait3A_196, %dma_wait3A_197] : memref<2000000x64xf32, #tpu.memory_space<hbm>> -> memref<256x64xf32, #tpu.memory_space<hbm>>
      %dma_wait3A_199 = arith.constant 0 : i32
      %dma_wait3A_200 = arith.constant 0 : i32
      %dma_wait3A_201 = tpu.memref_slice %arg2[%dma_wait3A_199, %dma_wait3A_200] : memref<2000000x64xf32, #tpu.memory_space<hbm>> -> memref<256x64xf32, #tpu.memory_space<hbm>>
      tpu.wait_dma2 semaphore(%arg18 : memref<!tpu.dma_semaphore, #tpu.memory_space<semaphore_mem>>) src(%dma_wait3A_201 : memref<256x64xf32, #tpu.memory_space<hbm>>) dst(%arg13 : memref<256x64xf32, #tpu.memory_space<vmem>>)
      %mul3A_202 = arith.constant 256 : i32
      %mul3A_203 = arith.muli %add3A_195, %mul3A_202 : i32
      %add3A_204 = arith.addi %mul3A_2, %mul3A_203 : i32
      %dma_start3A_205 = arith.constant 0 : i32
      %dma_start3A_206 = tpu.memref_slice %arg4[%add3A_204, %dma_start3A_205] : memref<819200x128xf32, #tpu.memory_space<hbm>> -> memref<256x64xf32, #tpu.memory_space<hbm>>
      %dma_start3A_207 = arith.constant 0 : i32
      %dma_start3A_208 = tpu.memref_slice %arg4[%add3A_204, %dma_start3A_207] : memref<819200x128xf32, #tpu.memory_space<hbm>> -> memref<256x64xf32, #tpu.memory_space<hbm>>
      tpu.enqueue_dma source(%arg13 : memref<256x64xf32, #tpu.memory_space<vmem>>) target(%dma_start3A_208 : memref<256x64xf32, #tpu.memory_space<hbm>>) target_semaphore(%arg23 : memref<!tpu.dma_semaphore, #tpu.memory_space<semaphore_mem>>)
      %add3A_209 = arith.constant 5 : i32
      %add3A_210 = arith.addi %add3A_195, %add3A_209 : i32
      %lt3A_211 = arith.constant 100 : i32
      %lt3A_212 = arith.cmpi slt, %add3A_210, %lt3A_211 : i32
      %convert_element_type3A_213 = arith.extui %lt3A_212 : i1 to i32
      %cond3A_214 = arith.constant 0 : i32
      %cond3A_215 = arith.cmpi ne, %convert_element_type3A_213, %cond3A_214 : i32
      scf.if %cond3A_215 {
        %dma_wait3A_264 = arith.constant 0 : i32
        %dma_wait3A_265 = arith.constant 0 : i32
        %dma_wait3A_266 = tpu.memref_slice %arg4[%dma_wait3A_264, %dma_wait3A_265] : memref<819200x128xf32, #tpu.memory_space<hbm>> -> memref<256x64xf32, #tpu.memory_space<hbm>>
        %dma_wait3A_267 = arith.constant 0 : i32
        %dma_wait3A_268 = arith.constant 0 : i32
        %dma_wait3A_269 = tpu.memref_slice %arg4[%dma_wait3A_267, %dma_wait3A_268] : memref<819200x128xf32, #tpu.memory_space<hbm>> -> memref<256x64xf32, #tpu.memory_space<hbm>>
        tpu.wait_dma2 semaphore(%arg23 : memref<!tpu.dma_semaphore, #tpu.memory_space<semaphore_mem>>) src(%arg13 : memref<256x64xf32, #tpu.memory_space<vmem>>) dst(%dma_wait3A_269 : memref<256x64xf32, #tpu.memory_space<hbm>>)
        %add3A_270 = arith.constant 5 : i32
        %add3A_271 = arith.addi %add3A_195, %add3A_270 : i32
        %mul3A_272 = arith.constant 256 : i32
        %mul3A_273 = arith.muli %add3A_271, %mul3A_272 : i32
        %scan3A_274 = arith.constant 0 : i32
        %scan3A_275 = arith.constant 0 : i32
        %scan3A_276 = arith.constant 16 : i32
        %scan3A_277 = arith.addi %scan3A_275, %scan3A_276 : i32
        %scan3A_278 = arith.constant 1 : i32
        scf.for %scan3A_296 = %scan3A_275 to %scan3A_277 step %scan3A_278  : i32 {
          %mul3A_297 = arith.constant 16 : i32
          %mul3A_298 = arith.muli %scan3A_296, %mul3A_297 : i32
          %add3A_299 = arith.addi %mul3A_273, %mul3A_298 : i32
          %get3A = arith.index_cast %add3A_299 : i32 to index
          %get3A_300 = tpu.vector_load %arg5[%get3A] {strides = array<i32>} : memref<25600xi32, #tpu.memory_space<vmem>>, vector<16xi32>,
          %get3A_301 = vector.shape_cast %get3A_300 : vector<16xi32> to vector<16xi32>
          %eq3A = arith.constant 0 : i32
          %eq3A_302 = vector.broadcast %eq3A : i32 to vector<16xi32>
          %eq3A_303 = arith.cmpi eq, %get3A_301, %eq3A_302 : vector<16xi32>
          %mul3A_304 = arith.constant 2 : i32
          %mul3A_305 = vector.broadcast %mul3A_304 : i32 to vector<16xi32>
          %mul3A_306 = arith.muli %get3A_301, %mul3A_305 : vector<16xi32>
          %jit3A = arith.constant 1 : i32
          %broadcast_in_dim3A = vector.broadcast %jit3A : i32 to vector<16xi32>
          %select_n3A = arith.select %eq3A_303, %broadcast_in_dim3A, %mul3A_306 : vector<16xi1>, vector<16xi32>
          %mul3A_307 = arith.constant 16 : i32
          %mul3A_308 = arith.muli %scan3A_296, %mul3A_307 : i32
          %swap3A = arith.index_cast %mul3A_308 : i32 to index
          %swap3A_309 = tpu.vector_load %arg8[%swap3A] {strides = array<i32>} : memref<256xi32, #tpu.memory_space<vmem>>, vector<16xi32>,
          %swap3A_310 = vector.shape_cast %swap3A_309 : vector<16xi32> to vector<16xi32>
          %swap3A_311 = vector.shape_cast %select_n3A : vector<16xi32> to vector<16xi32>
          tpu.vector_store %arg8[%swap3A], %swap3A_311 {strides = array<i32>} : memref<256xi32, #tpu.memory_space<vmem>>, vector<16xi32>,
        }
        %scan3A_279 = arith.constant 16 : i32
        %dma_start3A_280 = arith.constant 0 : i32
        %dma_start3A_281 = arith.constant 0 : i32
        %dma_start3A_282 = tpu.memref_slice %arg13[%dma_start3A_280, %dma_start3A_281] : memref<256x64xf32, #tpu.memory_space<vmem>> -> memref<128x64xf32, #tpu.memory_space<vmem>>
        %dma_start3A_283 = arith.constant 0 : i32
        %dma_start3A_284 = tpu.memref_slice %arg8[%dma_start3A_283] : memref<256xi32, #tpu.memory_space<vmem>> -> memref<128xi32, #tpu.memory_space<vmem>>
        %dma_start3A_285 = arith.constant 0 : i32
        %dma_start3A_286 = arith.constant 0 : i32
        %dma_start3A_287 = tpu.memref_slice %arg2[%dma_start3A_285, %dma_start3A_286] : memref<2000000x64xf32, #tpu.memory_space<hbm>> -> memref<2000000x64xf32, #tpu.memory_space<hbm>>
        tpu.enqueue_indirect_dma source(%dma_start3A_287 : memref<2000000x64xf32, #tpu.memory_space<hbm>>) target(%dma_start3A_282 : memref<128x64xf32, #tpu.memory_space<vmem>>) offsets(%dma_start3A_284 : memref<128xi32, #tpu.memory_space<vmem>>) semaphore(%arg18 : memref<!tpu.dma_semaphore, #tpu.memory_space<semaphore_mem>>)
        %dma_start3A_288 = arith.constant 128 : i32
        %dma_start3A_289 = arith.constant 0 : i32
        %dma_start3A_290 = tpu.memref_slice %arg13[%dma_start3A_288, %dma_start3A_289] : memref<256x64xf32, #tpu.memory_space<vmem>> -> memref<128x64xf32, #tpu.memory_space<vmem>>
        %dma_start3A_291 = arith.constant 128 : i32
        %dma_start3A_292 = tpu.memref_slice %arg8[%dma_start3A_291] : memref<256xi32, #tpu.memory_space<vmem>> -> memref<128xi32, #tpu.memory_space<vmem>>
        %dma_start3A_293 = arith.constant 0 : i32
        %dma_start3A_294 = arith.constant 0 : i32
        %dma_start3A_295 = tpu.memref_slice %arg2[%dma_start3A_293, %dma_start3A_294] : memref<2000000x64xf32, #tpu.memory_space<hbm>> -> memref<2000000x64xf32, #tpu.memory_space<hbm>>
        tpu.enqueue_indirect_dma source(%dma_start3A_295 : memref<2000000x64xf32, #tpu.memory_space<hbm>>) target(%dma_start3A_290 : memref<128x64xf32, #tpu.memory_space<vmem>>) offsets(%dma_start3A_292 : memref<128xi32, #tpu.memory_space<vmem>>) semaphore(%arg18 : memref<!tpu.dma_semaphore, #tpu.memory_space<semaphore_mem>>)
      } else {
      }
      %mul3A_216 = arith.constant 5 : i32
      %mul3A_217 = arith.muli %scan3A_146, %mul3A_216 : i32
      %add3A_218 = arith.constant 3 : i32
      %add3A_219 = arith.addi %mul3A_217, %add3A_218 : i32
      %dma_wait3A_220 = arith.constant 0 : i32
      %dma_wait3A_221 = arith.constant 0 : i32
      %dma_wait3A_222 = tpu.memref_slice %arg2[%dma_wait3A_220, %dma_wait3A_221] : memref<2000000x64xf32, #tpu.memory_space<hbm>> -> memref<256x64xf32, #tpu.memory_space<hbm>>
      %dma_wait3A_223 = arith.constant 0 : i32
      %dma_wait3A_224 = arith.constant 0 : i32
      %dma_wait3A_225 = tpu.memref_slice %arg2[%dma_wait3A_223, %dma_wait3A_224] : memref<2000000x64xf32, #tpu.memory_space<hbm>> -> memref<256x64xf32, #tpu.memory_space<hbm>>
      tpu.wait_dma2 semaphore(%arg19 : memref<!tpu.dma_semaphore, #tpu.memory_space<semaphore_mem>>) src(%dma_wait3A_225 : memref<256x64xf32, #tpu.memory_space<hbm>>) dst(%arg14 : memref<256x64xf32, #tpu.memory_space<vmem>>)
      %mul3A_226 = arith.constant 256 : i32
      %mul3A_227 = arith.muli %add3A_219, %mul3A_226 : i32
      %add3A_228 = arith.addi %mul3A_2, %mul3A_227 : i32
      %dma_start3A_229 = arith.constant 0 : i32
      %dma_start3A_230 = tpu.memref_slice %arg4[%add3A_228, %dma_start3A_229] : memref<819200x128xf32, #tpu.memory_space<hbm>> -> memref<256x64xf32, #tpu.memory_space<hbm>>
      %dma_start3A_231 = arith.constant 0 : i32
      %dma_start3A_232 = tpu.memref_slice %arg4[%add3A_228, %dma_start3A_231] : memref<819200x128xf32, #tpu.memory_space<hbm>> -> memref<256x64xf32, #tpu.memory_space<hbm>>
      tpu.enqueue_dma source(%arg14 : memref<256x64xf32, #tpu.memory_space<vmem>>) target(%dma_start3A_232 : memref<256x64xf32, #tpu.memory_space<hbm>>) target_semaphore(%arg24 : memref<!tpu.dma_semaphore, #tpu.memory_space<semaphore_mem>>)
      %add3A_233 = arith.constant 5 : i32
      %add3A_234 = arith.addi %add3A_219, %add3A_233 : i32
      %lt3A_235 = arith.constant 100 : i32
      %lt3A_236 = arith.cmpi slt, %add3A_234, %lt3A_235 : i32
      %convert_element_type3A_237 = arith.extui %lt3A_236 : i1 to i32
      %cond3A_238 = arith.constant 0 : i32
      %cond3A_239 = arith.cmpi ne, %convert_element_type3A_237, %cond3A_238 : i32
      scf.if %cond3A_239 {
        %dma_wait3A_264 = arith.constant 0 : i32
        %dma_wait3A_265 = arith.constant 0 : i32
        %dma_wait3A_266 = tpu.memref_slice %arg4[%dma_wait3A_264, %dma_wait3A_265] : memref<819200x128xf32, #tpu.memory_space<hbm>> -> memref<256x64xf32, #tpu.memory_space<hbm>>
        %dma_wait3A_267 = arith.constant 0 : i32
        %dma_wait3A_268 = arith.constant 0 : i32
        %dma_wait3A_269 = tpu.memref_slice %arg4[%dma_wait3A_267, %dma_wait3A_268] : memref<819200x128xf32, #tpu.memory_space<hbm>> -> memref<256x64xf32, #tpu.memory_space<hbm>>
        tpu.wait_dma2 semaphore(%arg24 : memref<!tpu.dma_semaphore, #tpu.memory_space<semaphore_mem>>) src(%arg14 : memref<256x64xf32, #tpu.memory_space<vmem>>) dst(%dma_wait3A_269 : memref<256x64xf32, #tpu.memory_space<hbm>>)
        %add3A_270 = arith.constant 5 : i32
        %add3A_271 = arith.addi %add3A_219, %add3A_270 : i32
        %mul3A_272 = arith.constant 256 : i32
        %mul3A_273 = arith.muli %add3A_271, %mul3A_272 : i32
        %scan3A_274 = arith.constant 0 : i32
        %scan3A_275 = arith.constant 0 : i32
        %scan3A_276 = arith.constant 16 : i32
        %scan3A_277 = arith.addi %scan3A_275, %scan3A_276 : i32
        %scan3A_278 = arith.constant 1 : i32
        scf.for %scan3A_296 = %scan3A_275 to %scan3A_277 step %scan3A_278  : i32 {
          %mul3A_297 = arith.constant 16 : i32
          %mul3A_298 = arith.muli %scan3A_296, %mul3A_297 : i32
          %add3A_299 = arith.addi %mul3A_273, %mul3A_298 : i32
          %get3A = arith.index_cast %add3A_299 : i32 to index
          %get3A_300 = tpu.vector_load %arg5[%get3A] {strides = array<i32>} : memref<25600xi32, #tpu.memory_space<vmem>>, vector<16xi32>,
          %get3A_301 = vector.shape_cast %get3A_300 : vector<16xi32> to vector<16xi32>
          %eq3A = arith.constant 0 : i32
          %eq3A_302 = vector.broadcast %eq3A : i32 to vector<16xi32>
          %eq3A_303 = arith.cmpi eq, %get3A_301, %eq3A_302 : vector<16xi32>
          %mul3A_304 = arith.constant 2 : i32
          %mul3A_305 = vector.broadcast %mul3A_304 : i32 to vector<16xi32>
          %mul3A_306 = arith.muli %get3A_301, %mul3A_305 : vector<16xi32>
          %jit3A = arith.constant 1 : i32
          %broadcast_in_dim3A = vector.broadcast %jit3A : i32 to vector<16xi32>
          %select_n3A = arith.select %eq3A_303, %broadcast_in_dim3A, %mul3A_306 : vector<16xi1>, vector<16xi32>
          %mul3A_307 = arith.constant 16 : i32
          %mul3A_308 = arith.muli %scan3A_296, %mul3A_307 : i32
          %swap3A = arith.index_cast %mul3A_308 : i32 to index
          %swap3A_309 = tpu.vector_load %arg9[%swap3A] {strides = array<i32>} : memref<256xi32, #tpu.memory_space<vmem>>, vector<16xi32>,
          %swap3A_310 = vector.shape_cast %swap3A_309 : vector<16xi32> to vector<16xi32>
          %swap3A_311 = vector.shape_cast %select_n3A : vector<16xi32> to vector<16xi32>
          tpu.vector_store %arg9[%swap3A], %swap3A_311 {strides = array<i32>} : memref<256xi32, #tpu.memory_space<vmem>>, vector<16xi32>,
        }
        %scan3A_279 = arith.constant 16 : i32
        %dma_start3A_280 = arith.constant 0 : i32
        %dma_start3A_281 = arith.constant 0 : i32
        %dma_start3A_282 = tpu.memref_slice %arg14[%dma_start3A_280, %dma_start3A_281] : memref<256x64xf32, #tpu.memory_space<vmem>> -> memref<128x64xf32, #tpu.memory_space<vmem>>
        %dma_start3A_283 = arith.constant 0 : i32
        %dma_start3A_284 = tpu.memref_slice %arg9[%dma_start3A_283] : memref<256xi32, #tpu.memory_space<vmem>> -> memref<128xi32, #tpu.memory_space<vmem>>
        %dma_start3A_285 = arith.constant 0 : i32
        %dma_start3A_286 = arith.constant 0 : i32
        %dma_start3A_287 = tpu.memref_slice %arg2[%dma_start3A_285, %dma_start3A_286] : memref<2000000x64xf32, #tpu.memory_space<hbm>> -> memref<2000000x64xf32, #tpu.memory_space<hbm>>
        tpu.enqueue_indirect_dma source(%dma_start3A_287 : memref<2000000x64xf32, #tpu.memory_space<hbm>>) target(%dma_start3A_282 : memref<128x64xf32, #tpu.memory_space<vmem>>) offsets(%dma_start3A_284 : memref<128xi32, #tpu.memory_space<vmem>>) semaphore(%arg19 : memref<!tpu.dma_semaphore, #tpu.memory_space<semaphore_mem>>)
        %dma_start3A_288 = arith.constant 128 : i32
        %dma_start3A_289 = arith.constant 0 : i32
        %dma_start3A_290 = tpu.memref_slice %arg14[%dma_start3A_288, %dma_start3A_289] : memref<256x64xf32, #tpu.memory_space<vmem>> -> memref<128x64xf32, #tpu.memory_space<vmem>>
        %dma_start3A_291 = arith.constant 128 : i32
        %dma_start3A_292 = tpu.memref_slice %arg9[%dma_start3A_291] : memref<256xi32, #tpu.memory_space<vmem>> -> memref<128xi32, #tpu.memory_space<vmem>>
        %dma_start3A_293 = arith.constant 0 : i32
        %dma_start3A_294 = arith.constant 0 : i32
        %dma_start3A_295 = tpu.memref_slice %arg2[%dma_start3A_293, %dma_start3A_294] : memref<2000000x64xf32, #tpu.memory_space<hbm>> -> memref<2000000x64xf32, #tpu.memory_space<hbm>>
        tpu.enqueue_indirect_dma source(%dma_start3A_295 : memref<2000000x64xf32, #tpu.memory_space<hbm>>) target(%dma_start3A_290 : memref<128x64xf32, #tpu.memory_space<vmem>>) offsets(%dma_start3A_292 : memref<128xi32, #tpu.memory_space<vmem>>) semaphore(%arg19 : memref<!tpu.dma_semaphore, #tpu.memory_space<semaphore_mem>>)
      } else {
      }
      %mul3A_240 = arith.constant 5 : i32
      %mul3A_241 = arith.muli %scan3A_146, %mul3A_240 : i32
      %add3A_242 = arith.constant 4 : i32
      %add3A_243 = arith.addi %mul3A_241, %add3A_242 : i32
      %dma_wait3A_244 = arith.constant 0 : i32
      %dma_wait3A_245 = arith.constant 0 : i32
      %dma_wait3A_246 = tpu.memref_slice %arg2[%dma_wait3A_244, %dma_wait3A_245] : memref<2000000x64xf32, #tpu.memory_space<hbm>> -> memref<256x64xf32, #tpu.memory_space<hbm>>
      %dma_wait3A_247 = arith.constant 0 : i32
      %dma_wait3A_248 = arith.constant 0 : i32
      %dma_wait3A_249 = tpu.memref_slice %arg2[%dma_wait3A_247, %dma_wait3A_248] : memref<2000000x64xf32, #tpu.memory_space<hbm>> -> memref<256x64xf32, #tpu.memory_space<hbm>>
      tpu.wait_dma2 semaphore(%arg20 : memref<!tpu.dma_semaphore, #tpu.memory_space<semaphore_mem>>) src(%dma_wait3A_249 : memref<256x64xf32, #tpu.memory_space<hbm>>) dst(%arg15 : memref<256x64xf32, #tpu.memory_space<vmem>>)
      %mul3A_250 = arith.constant 256 : i32
      %mul3A_251 = arith.muli %add3A_243, %mul3A_250 : i32
      %add3A_252 = arith.addi %mul3A_2, %mul3A_251 : i32
      %dma_start3A_253 = arith.constant 0 : i32
      %dma_start3A_254 = tpu.memref_slice %arg4[%add3A_252, %dma_start3A_253] : memref<819200x128xf32, #tpu.memory_space<hbm>> -> memref<256x64xf32, #tpu.memory_space<hbm>>
      %dma_start3A_255 = arith.constant 0 : i32
      %dma_start3A_256 = tpu.memref_slice %arg4[%add3A_252, %dma_start3A_255] : memref<819200x128xf32, #tpu.memory_space<hbm>> -> memref<256x64xf32, #tpu.memory_space<hbm>>
      tpu.enqueue_dma source(%arg15 : memref<256x64xf32, #tpu.memory_space<vmem>>) target(%dma_start3A_256 : memref<256x64xf32, #tpu.memory_space<hbm>>) target_semaphore(%arg25 : memref<!tpu.dma_semaphore, #tpu.memory_space<semaphore_mem>>)
      %add3A_257 = arith.constant 5 : i32
      %add3A_258 = arith.addi %add3A_243, %add3A_257 : i32
      %lt3A_259 = arith.constant 100 : i32
      %lt3A_260 = arith.cmpi slt, %add3A_258, %lt3A_259 : i32
      %convert_element_type3A_261 = arith.extui %lt3A_260 : i1 to i32
      %cond3A_262 = arith.constant 0 : i32
      %cond3A_263 = arith.cmpi ne, %convert_element_type3A_261, %cond3A_262 : i32
      scf.if %cond3A_263 {
        %dma_wait3A_264 = arith.constant 0 : i32
        %dma_wait3A_265 = arith.constant 0 : i32
        %dma_wait3A_266 = tpu.memref_slice %arg4[%dma_wait3A_264, %dma_wait3A_265] : memref<819200x128xf32, #tpu.memory_space<hbm>> -> memref<256x64xf32, #tpu.memory_space<hbm>>
        %dma_wait3A_267 = arith.constant 0 : i32
        %dma_wait3A_268 = arith.constant 0 : i32
        %dma_wait3A_269 = tpu.memref_slice %arg4[%dma_wait3A_267, %dma_wait3A_268] : memref<819200x128xf32, #tpu.memory_space<hbm>> -> memref<256x64xf32, #tpu.memory_space<hbm>>
        tpu.wait_dma2 semaphore(%arg25 : memref<!tpu.dma_semaphore, #tpu.memory_space<semaphore_mem>>) src(%arg15 : memref<256x64xf32, #tpu.memory_space<vmem>>) dst(%dma_wait3A_269 : memref<256x64xf32, #tpu.memory_space<hbm>>)
        %add3A_270 = arith.constant 5 : i32
        %add3A_271 = arith.addi %add3A_243, %add3A_270 : i32
        %mul3A_272 = arith.constant 256 : i32
        %mul3A_273 = arith.muli %add3A_271, %mul3A_272 : i32
        %scan3A_274 = arith.constant 0 : i32
        %scan3A_275 = arith.constant 0 : i32
        %scan3A_276 = arith.constant 16 : i32
        %scan3A_277 = arith.addi %scan3A_275, %scan3A_276 : i32
        %scan3A_278 = arith.constant 1 : i32
        scf.for %scan3A_296 = %scan3A_275 to %scan3A_277 step %scan3A_278  : i32 {
          %mul3A_297 = arith.constant 16 : i32
          %mul3A_298 = arith.muli %scan3A_296, %mul3A_297 : i32
          %add3A_299 = arith.addi %mul3A_273, %mul3A_298 : i32
          %get3A = arith.index_cast %add3A_299 : i32 to index
          %get3A_300 = tpu.vector_load %arg5[%get3A] {strides = array<i32>} : memref<25600xi32, #tpu.memory_space<vmem>>, vector<16xi32>,
          %get3A_301 = vector.shape_cast %get3A_300 : vector<16xi32> to vector<16xi32>
          %eq3A = arith.constant 0 : i32
          %eq3A_302 = vector.broadcast %eq3A : i32 to vector<16xi32>
          %eq3A_303 = arith.cmpi eq, %get3A_301, %eq3A_302 : vector<16xi32>
          %mul3A_304 = arith.constant 2 : i32
          %mul3A_305 = vector.broadcast %mul3A_304 : i32 to vector<16xi32>
          %mul3A_306 = arith.muli %get3A_301, %mul3A_305 : vector<16xi32>
          %jit3A = arith.constant 1 : i32
          %broadcast_in_dim3A = vector.broadcast %jit3A : i32 to vector<16xi32>
          %select_n3A = arith.select %eq3A_303, %broadcast_in_dim3A, %mul3A_306 : vector<16xi1>, vector<16xi32>
          %mul3A_307 = arith.constant 16 : i32
          %mul3A_308 = arith.muli %scan3A_296, %mul3A_307 : i32
          %swap3A = arith.index_cast %mul3A_308 : i32 to index
          %swap3A_309 = tpu.vector_load %arg10[%swap3A] {strides = array<i32>} : memref<256xi32, #tpu.memory_space<vmem>>, vector<16xi32>,
          %swap3A_310 = vector.shape_cast %swap3A_309 : vector<16xi32> to vector<16xi32>
          %swap3A_311 = vector.shape_cast %select_n3A : vector<16xi32> to vector<16xi32>
          tpu.vector_store %arg10[%swap3A], %swap3A_311 {strides = array<i32>} : memref<256xi32, #tpu.memory_space<vmem>>, vector<16xi32>,
        }
        %scan3A_279 = arith.constant 16 : i32
        %dma_start3A_280 = arith.constant 0 : i32
        %dma_start3A_281 = arith.constant 0 : i32
        %dma_start3A_282 = tpu.memref_slice %arg15[%dma_start3A_280, %dma_start3A_281] : memref<256x64xf32, #tpu.memory_space<vmem>> -> memref<128x64xf32, #tpu.memory_space<vmem>>
        %dma_start3A_283 = arith.constant 0 : i32
        %dma_start3A_284 = tpu.memref_slice %arg10[%dma_start3A_283] : memref<256xi32, #tpu.memory_space<vmem>> -> memref<128xi32, #tpu.memory_space<vmem>>
        %dma_start3A_285 = arith.constant 0 : i32
        %dma_start3A_286 = arith.constant 0 : i32
        %dma_start3A_287 = tpu.memref_slice %arg2[%dma_start3A_285, %dma_start3A_286] : memref<2000000x64xf32, #tpu.memory_space<hbm>> -> memref<2000000x64xf32, #tpu.memory_space<hbm>>
        tpu.enqueue_indirect_dma source(%dma_start3A_287 : memref<2000000x64xf32, #tpu.memory_space<hbm>>) target(%dma_start3A_282 : memref<128x64xf32, #tpu.memory_space<vmem>>) offsets(%dma_start3A_284 : memref<128xi32, #tpu.memory_space<vmem>>) semaphore(%arg20 : memref<!tpu.dma_semaphore, #tpu.memory_space<semaphore_mem>>)
        %dma_start3A_288 = arith.constant 128 : i32
        %dma_start3A_289 = arith.constant 0 : i32
        %dma_start3A_290 = tpu.memref_slice %arg15[%dma_start3A_288, %dma_start3A_289] : memref<256x64xf32, #tpu.memory_space<vmem>> -> memref<128x64xf32, #tpu.memory_space<vmem>>
        %dma_start3A_291 = arith.constant 128 : i32
        %dma_start3A_292 = tpu.memref_slice %arg10[%dma_start3A_291] : memref<256xi32, #tpu.memory_space<vmem>> -> memref<128xi32, #tpu.memory_space<vmem>>
        %dma_start3A_293 = arith.constant 0 : i32
        %dma_start3A_294 = arith.constant 0 : i32
        %dma_start3A_295 = tpu.memref_slice %arg2[%dma_start3A_293, %dma_start3A_294] : memref<2000000x64xf32, #tpu.memory_space<hbm>> -> memref<2000000x64xf32, #tpu.memory_space<hbm>>
        tpu.enqueue_indirect_dma source(%dma_start3A_295 : memref<2000000x64xf32, #tpu.memory_space<hbm>>) target(%dma_start3A_290 : memref<128x64xf32, #tpu.memory_space<vmem>>) offsets(%dma_start3A_292 : memref<128xi32, #tpu.memory_space<vmem>>) semaphore(%arg20 : memref<!tpu.dma_semaphore, #tpu.memory_space<semaphore_mem>>)
      } else {
      }
    }
    %scan3A_116 = arith.constant 20 : i32
    %dma_wait3A = arith.constant 0 : i32
    %dma_wait3A_117 = arith.constant 0 : i32
    %dma_wait3A_118 = tpu.memref_slice %arg4[%dma_wait3A, %dma_wait3A_117] : memref<819200x128xf32, #tpu.memory_space<hbm>> -> memref<256x64xf32, #tpu.memory_space<hbm>>
    %dma_wait3A_119 = arith.constant 0 : i32
    %dma_wait3A_120 = arith.constant 0 : i32
    %dma_wait3A_121 = tpu.memref_slice %arg4[%dma_wait3A_119, %dma_wait3A_120] : memref<819200x128xf32, #tpu.memory_space<hbm>> -> memref<256x64xf32, #tpu.memory_space<hbm>>
    tpu.wait_dma2 semaphore(%arg21 : memref<!tpu.dma_semaphore, #tpu.memory_space<semaphore_mem>>) src(%arg11 : memref<256x64xf32, #tpu.memory_space<vmem>>) dst(%dma_wait3A_121 : memref<256x64xf32, #tpu.memory_space<hbm>>)
    %dma_wait3A_122 = arith.constant 0 : i32
    %dma_wait3A_123 = arith.constant 0 : i32
    %dma_wait3A_124 = tpu.memref_slice %arg4[%dma_wait3A_122, %dma_wait3A_123] : memref<819200x128xf32, #tpu.memory_space<hbm>> -> memref<256x64xf32, #tpu.memory_space<hbm>>
    %dma_wait3A_125 = arith.constant 0 : i32
    %dma_wait3A_126 = arith.constant 0 : i32
    %dma_wait3A_127 = tpu.memref_slice %arg4[%dma_wait3A_125, %dma_wait3A_126] : memref<819200x128xf32, #tpu.memory_space<hbm>> -> memref<256x64xf32, #tpu.memory_space<hbm>>
    tpu.wait_dma2 semaphore(%arg22 : memref<!tpu.dma_semaphore, #tpu.memory_space<semaphore_mem>>) src(%arg12 : memref<256x64xf32, #tpu.memory_space<vmem>>) dst(%dma_wait3A_127 : memref<256x64xf32, #tpu.memory_space<hbm>>)
    %dma_wait3A_128 = arith.constant 0 : i32
    %dma_wait3A_129 = arith.constant 0 : i32
    %dma_wait3A_130 = tpu.memref_slice %arg4[%dma_wait3A_128, %dma_wait3A_129] : memref<819200x128xf32, #tpu.memory_space<hbm>> -> memref<256x64xf32, #tpu.memory_space<hbm>>
    %dma_wait3A_131 = arith.constant 0 : i32
    %dma_wait3A_132 = arith.constant 0 : i32
    %dma_wait3A_133 = tpu.memref_slice %arg4[%dma_wait3A_131, %dma_wait3A_132] : memref<819200x128xf32, #tpu.memory_space<hbm>> -> memref<256x64xf32, #tpu.memory_space<hbm>>
    tpu.wait_dma2 semaphore(%arg23 : memref<!tpu.dma_semaphore, #tpu.memory_space<semaphore_mem>>) src(%arg13 : memref<256x64xf32, #tpu.memory_space<vmem>>) dst(%dma_wait3A_133 : memref<256x64xf32, #tpu.memory_space<hbm>>)
    %dma_wait3A_134 = arith.constant 0 : i32
    %dma_wait3A_135 = arith.constant 0 : i32
    %dma_wait3A_136 = tpu.memref_slice %arg4[%dma_wait3A_134, %dma_wait3A_135] : memref<819200x128xf32, #tpu.memory_space<hbm>> -> memref<256x64xf32, #tpu.memory_space<hbm>>
    %dma_wait3A_137 = arith.constant 0 : i32
    %dma_wait3A_138 = arith.constant 0 : i32
    %dma_wait3A_139 = tpu.memref_slice %arg4[%dma_wait3A_137, %dma_wait3A_138] : memref<819200x128xf32, #tpu.memory_space<hbm>> -> memref<256x64xf32, #tpu.memory_space<hbm>>
    tpu.wait_dma2 semaphore(%arg24 : memref<!tpu.dma_semaphore, #tpu.memory_space<semaphore_mem>>) src(%arg14 : memref<256x64xf32, #tpu.memory_space<vmem>>) dst(%dma_wait3A_139 : memref<256x64xf32, #tpu.memory_space<hbm>>)
    %dma_wait3A_140 = arith.constant 0 : i32
    %dma_wait3A_141 = arith.constant 0 : i32
    %dma_wait3A_142 = tpu.memref_slice %arg4[%dma_wait3A_140, %dma_wait3A_141] : memref<819200x128xf32, #tpu.memory_space<hbm>> -> memref<256x64xf32, #tpu.memory_space<hbm>>
    %dma_wait3A_143 = arith.constant 0 : i32
    %dma_wait3A_144 = arith.constant 0 : i32
    %dma_wait3A_145 = tpu.memref_slice %arg4[%dma_wait3A_143, %dma_wait3A_144] : memref<819200x128xf32, #tpu.memory_space<hbm>> -> memref<256x64xf32, #tpu.memory_space<hbm>>
    tpu.wait_dma2 semaphore(%arg25 : memref<!tpu.dma_semaphore, #tpu.memory_space<semaphore_mem>>) src(%arg15 : memref<256x64xf32, #tpu.memory_space<vmem>>) dst(%dma_wait3A_145 : memref<256x64xf32, #tpu.memory_space<hbm>>)
    return
  }
}

</mosaic_0001>

<sc_bundles>
// kernel: kernel.3.cloned.1.call-start
scs
__scs_entry_jumppad:
0x0: {  	(pc) =	sbr.rel $0x88, $3  }
0x1: {  	(tag) =	ssettag $0x0;
	lr =	simm.s32 $0x1  }
0x2: {  	[smem:$0x3F9F] =	sst lr;
	_ =	strace $0xD0000000  }
0x3: {  	_ = 	snop  }
0x4: {  	_ = 	snop  }
0x5: {  	_ = 	snop  }
0x6: {  	_ = 	snop  }
0x7: {  	_ = 	snop  }
__scs_overlays_trampoline_lowered:
0x8: {  	[smem:$0x3FAE] =	sst s0  }
0x9: {  	[smem:$0x3FAF] =	sst s1  }
0xa: {  	[smem:$0x3FB0] =	sst s2  }
0xb: {  	[smem:$0x3FB1] =	sst s3  }
0xc: {  	[smem:$0x3FB2] =	sst s4  }
0xd: {  	[smem:$0x3FB3] =	sst s5  }
0xe: {  	[smem:$0x3FB4] =	sst s6  }
0xf: {  	[smem:$0x3FB5] =	sst s7  }
0x10: {  	[smem:$0x3FB6] =	sst s8  }
0x11: {  	[smem:$0x3FB7] =	sst s9;
	s0 =	simm.s32 @!p0 $0x0  }
0x12: {  	s1 =	sld [smem:$0x3F9D];
	s0 =	simm.s32 @p0 $0x1  }
0x13: {  	[smem:$0x3FB8] =	sst s0;
	s0 =	simm.s32 @!p1 $0x0  }
0x14: {  	s2 =	sld [smem:$0x3F9C];
	s0 =	simm.s32 @p1 $0x1  }
0x15: {  	[smem:$0x3FB9] =	sst s0;
	s0 =	simm.s32 @!p2 $0x0  }
0x16: {  	s3 =	sld [smem:$0x3FDB];
	s0 =	simm.s32 @p2 $0x1  }
0x17: {  	s4 =	simm.s32 $0x1BF5;
	[smem:$0x3FBB] =	sst s0  }
0x18: {  	s0 =	sld [smem:$0x3F9E];
	_ =	swait.ge [sflag:s4], $0x0  }
0x19: {  	s7 =	sld [smem:$0x3F9F]  }
0x1a: {  	s8 =	sadd.s32 $0xFFFFE003, lr  }
0x1b: {  	s9 =	sadd.s32 $0xFFFFFEF7, lr;
	s5 =	simm.s32 $0xFFFFFFFF;
	p2 =	slt.u32 s8, $0xFFFFF086  }
0x1c: {  	p1 =	slt.u32 s9, $0xF7A;
	s5 =	simm.s32 @!p2 $0x0  }
0x1d: {  	s5 =	simm.s32 @p1 $0x1;
	p0 =	seq.s32 s7, s2  }
0x1e: {  	s7 =	smul.u32 @!p0 $0xF7A, s2;
	p2 =	seq.s32 @!p0 s5, $0x0  }
0x1f: {  	s9 =	smul.u32 $0xF7A, s1;
	s8 =	simm.s32 @!p0 $0x1BF5;
	p2 =	por !p2, p0  }
0x20: {  	[sflag:s8] =	ssyncset.s32 @!p0 $0xFFFFF086;
	s6 =	sadd.s32 @!p0 s3, s7;
	s7 =	simm.s32 @!p0 $0x108  }
0x21: {  	s3 =	sadd.s32 s3, s9;
	s6 =	sadd.s32 @!p0 $0x88, s6;
	s7 =	simm.s32 @p2 $0x1082  }
0x22: {  	[simem:s7], [sflag:s8] =	dma.local @!p0 [hbm:s6], $0xF7A  }
0x23: {  	s9 =	sor.u32 $0xD0000000, s2;
	s6 =	simm.s32 $0x108;
	_ =	swait.ge @!p0 [sflag:s8], $0x0  }
0x24: {  	s3 =	sadd.s32 $0x88, s3;
	s6 =	simm.s32 @!p1 $0x1082;
	[sflag:s4] =	ssyncset.s32 $0xFFFFF086  }
0x25: {  	[simem:s6], [sflag:s4] =	dma.local [hbm:s3], $0xF7A  }
0x26: {  	[smem:$0x3F9F] =	sst s1;
	(tag) =	ssettag s2;
	_ =	strace s9  }
0x27: {  	s1 =	sld [smem:$0x3FAF]  }
0x28: {  	s2 =	sld [smem:$0x3FB0]  }
0x29: {  	s4 =	sld [smem:$0x3FB2]  }
0x2a: {  	p0 =	seq.s32 s5, $0x0;
	s5 =	sld [smem:$0x3FB3]  }
0x2b: {  	s6 =	sld [smem:$0x3FB4]  }
0x2c: {  	s7 =	sld [smem:$0x3FB5]  }
0x2d: {  	s3 =	simm.s32 $0x108;
	s8 =	sld [smem:$0x3FB6]  }
0x2e: {  	s3 =	simm.s32 @!p0 $0x1082;
	s9 =	sld [smem:$0x3FB7]  }
0x2f: {  	lr =	sadd.s32 s0, s3;
	s0 =	sld [smem:$0x3FAE]  }
0x30: {  	s3 =	sld [smem:$0x3FB1]  }
0x31: {  	[smem:$0x3FBA] =	sst s10  }
0x32: {  	s10 =	sld [smem:$0x3FB8];
	_ =	sdelay $0x3  }
0x33: {  	p0 =	seq.s32 s10, $0x1;
	s10 =	sld [smem:$0x3FBA];
	_ =	sdelay $0x3  }
0x34: {  	[smem:$0x3FBA] =	sst s10  }
0x35: {  	s10 =	sld [smem:$0x3FB9];
	_ =	sdelay $0x3  }
0x36: {  	p1 =	seq.s32 s10, $0x1;
	s10 =	sld [smem:$0x3FBA];
	_ =	sdelay $0x3  }
0x37: {  	[smem:$0x3FBA] =	sst s10  }
0x38: {  	s10 =	sld [smem:$0x3FBB]  }
0x39: {  	_ = 	snop;
	(pc) =	sbr.ind lr, $3  }
0x3a: {  	_ = 	snop  }
0x3b: {  	_ = 	snop  }
0x3c: {  	p2 =	seq.s32 s10, $0x1;
	s10 =	sld [smem:$0x3FBA]  }
0x3d: {  	_ =	shalt  }
0x3e: {  	_ =	shalt  }
0x3f: {  	_ =	shalt  }
0x40: {  	_ =	shalt  }
0x41: {  	_ =	shalt  }
0x42: {  	_ =	shalt  }
0x43: {  	_ =	shalt  }
0x44: {  	_ =	shalt  }
0x45: {  	_ =	shalt  }
0x46: {  	_ =	shalt  }
0x47: {  	_ =	shalt  }
0x48: {  	_ =	shalt  }
0x49: {  	_ =	shalt  }
0x4a: {  	_ =	shalt  }
0x4b: {  	_ =	shalt  }
0x4c: {  	_ =	shalt  }
0x4d: {  	_ =	shalt  }
0x4e: {  	_ =	shalt  }
0x4f: {  	_ =	shalt  }
0x50: {  	_ =	shalt  }
0x51: {  	_ =	shalt  }
0x52: {  	_ =	shalt  }
0x53: {  	_ =	shalt  }
0x54: {  	_ =	shalt  }
0x55: {  	_ =	shalt  }
0x56: {  	_ =	shalt  }
0x57: {  	_ =	shalt  }
0x58: {  	_ =	shalt  }
0x59: {  	_ =	shalt  }
0x5a: {  	_ =	shalt  }
0x5b: {  	_ =	shalt  }
0x5c: {  	_ =	shalt  }
0x5d: {  	_ =	shalt  }
0x5e: {  	_ =	shalt  }
0x5f: {  	_ =	shalt  }
0x60: {  	_ =	shalt  }
0x61: {  	_ =	shalt  }
0x62: {  	_ =	shalt  }
0x63: {  	_ =	shalt  }
0x64: {  	_ =	shalt  }
0x65: {  	_ =	shalt  }
0x66: {  	_ =	shalt  }
0x67: {  	_ =	shalt  }
0x68: {  	_ =	shalt  }
0x69: {  	_ =	shalt  }
0x6a: {  	_ =	shalt  }
0x6b: {  	_ =	shalt  }
0x6c: {  	_ =	shalt  }
0x6d: {  	_ =	shalt  }
0x6e: {  	_ =	shalt  }
0x6f: {  	_ =	shalt  }
0x70: {  	_ =	shalt  }
0x71: {  	_ =	shalt  }
0x72: {  	_ =	shalt  }
0x73: {  	_ =	shalt  }
0x74: {  	_ =	shalt  }
0x75: {  	_ =	shalt  }
0x76: {  	_ =	shalt  }
0x77: {  	_ =	shalt  }
0x78: {  	_ =	shalt  }
0x79: {  	_ =	shalt  }
0x7a: {  	_ =	shalt  }
0x7b: {  	_ =	shalt  }
0x7c: {  	_ =	shalt  }
0x7d: {  	_ =	shalt  }
0x7e: {  	_ =	shalt  }
0x7f: {  	_ =	shalt  }
0x80: {  	_ =	shalt  }
0x81: {  	_ =	shalt  }
0x82: {  	_ =	shalt  }
0x83: {  	_ =	shalt  }
0x84: {  	_ =	shalt  }
0x85: {  	_ =	shalt  }
0x86: {  	_ =	shalt  }
0x87: {  	_ =	shalt  }
.Lfunc_end0:
.L_simem_size_0:
called_computation.1_lowered:
.L_overlay_start_0:
0x88: {  	s2 =	sld [smem:$0x3FD9]  }
0x89: {  	s3 =	sld [smem:$0x3FFE];
	_ =	sdelay $0x1  }
0x8a: {  	s1 =	srdreg.scid  }
0x8b: {  	s0 =	sand.u32 $0x1, s1  }
0x8c: {  	s17 =	sshll.u32 s0, $0xA;
	s2 =	sadd.s32 s3, s2  }
0x8d: {  	s2 =	sadd.s32 s2, s17  }
0x8e: {  	[smem:$0x3FC6] =	sst s2  }
0x8f: {  	_ = 	snop  }
0x90: {  	s2 =	sld [smem:$0x3FD0];
	(tm) =	ssettm $0x1  }
0x91: {  	s18 =	sld [smem:$0x3FFB];
	_ =	sdelay $0x3  }
0x92: {  	_ =	strace s18  }
0x93: {  	s3 =	sld [smem:$0x3FFC];
	_ =	sdelay $0x3  }
0x94: {  	_ =	strace s3  }
0x95: {  	s3 =	sld [smem:$0x3FFD];
	_ =	sdelay $0x3  }
0x96: {  	_ =	strace s3  }
0x97: {  	_ =	strace $0x8FFFFFFF  }
0x98: {  	s19 =	sld [smem:$0x3FDB];
	_ =	sdelay $0x1  }
0x99: {  	s4 =	simm.s32 $_scs_section_size  }
0x9a: {  	s5 =	simm.s32 $_size__tile_overlayer_lowered;
	s6 =	simm.s32 $_tile_overlayer_lowered  }
0x9b: {  	s22 =	simm.s32 $0x1BFF;
	s21 =	sshll.u32 s6, $0x1;
	s3 =	sadd.s32 s4, s19  }
0x9c: {  	s7 =	simm.s32 $0x0;
	s20 =	sshll.u32 s5, $0x1;
	s5 =	sadd.s32 s21, s3  }
0x9d: {  	[timem:s7], [sflag:s22] =	dma.local [hbm:s5], s20  }
0x9e: {  	_ =	swait.ge [sflag:s22], s20  }
0x9f: {  	s4 =	ssub.s32 $0x0, s20;
	[sflag:s22] =	ssyncset.done $0x0  }
0xa0: {  	[sflag:s22] =	ssyncadd.s32 s4;
	_ =	sdelay $0x1  }
0xa1: {  	s23 =	simm.s32 $0x1B8B  }
0xa2: {  	_ =	swait.ge [sflag:s23], $0x1  }
0xa3: {  	[sflag:s23] =	ssyncset.done $0x0  }
0xa4: {  	s25 =	simm.s32 $0x1B8E;
	s24 =	sld [smem:$0x3FFE];
	[sflag:s23] =	ssyncadd.s32 $0xFFFFFFFF  }
0xa5: {  	s26 =	simm.s32 $execute0_lowered;
	[smem:$0x3FD2] =	sst s25  }
0xa6: {  	s5 =	sshll.u32 s26, $0x1;
	_ =	strace $0x80000046;
	[dreg:$0x1] =	wrdreg $0xFFFFFFFF  }
0xa7: {  	s28 =	simm.s32 $_size_execute0_lowered;
	s3 =	sadd.s32 s3, s5;
	[dreg:$0x0] =	wrdreg $0x0  }
0xa8: {  	s5 =	sshll.u32 s28, $0x1;
	[dreg:$0x2] =	wrdreg s3  }
0xa9: {  	[dreg:$0x3] =	wrdreg s5  }
0xaa: {  	[dreg:$0x4] =	wrdreg $0xC0  }
0xab: {  	_ =	task [dreg:s7], $0x5FFFF  }
0xac: {  	[dreg:$0x1] =	wrdreg $0xFFFFFFFF  }
0xad: {  	[dreg:$0x0] =	wrdreg $0x60  }
0xae: {  	[dreg:$0x2] =	wrdreg s24  }
0xaf: {  	[dreg:$0x3] =	wrdreg s2  }
0xb0: {  	[dreg:$0x4] =	wrdreg $0x9  }
0xb1: {  	_ =	task.clear_ibuf [dreg:s7], $0x5FFFF;
	_ =	strace $0x90000046  }
0xb2: {  	s29 =	simm.s32 $0x9;
	_ =	strace $0x80000048  }
0xb3: {  	_ =	swait.ge [sflag:s29], $0x1  }
0xb4: {  	[sflag:s29] =	ssyncadd.s32 $0xFFFFFFFF  }
0xb5: {  	_ =	strace $0x90000048  }
0xb6: {  	_ =	sfence  }
0xb7: {  	s30 =	sld [smem:$0x0];
	_ =	sdelay $0x2  }
0xb8: {  	s31 =	sshll.u32 s1, $0xD;
	s1 =	sshrl.u32 s1, $0x2  }
0xb9: {  	s3 =	sand.u32 $0x4000, s31;
	s1 =	sadd.s32 s1, s30  }
0xba: {  	s0 =	sor.u32 s3, s0;
	s1 =	sshll.u32 s1, $0x11  }
0xbb: {  	s0 =	sor.u32 s1, s0  }
0xbc: {  	s0 =	sadd.s32 $0x8F2B, s0  }
0xbd: {  	[sflag:s0] =	ssyncadd.remote.s32 $0x1  }
0xbe: {  	_ =	sfence.sel $0xFFFF  }
0xbf: {  	[dreg:$0x0] =	wrdreg $0xFFFFFFFF;
	(pc) =	sbr.abs _section_cstart, $3  }
0xc0: {  	[dreg:$0x1] =	wrdreg $0xFFFFFFFF  }
0xc1: {  	_ =	task.clear_ibuf [dreg:s7], $0x2FFFF;
	_ =	strace $0x9FFFFFFF  }
0xc2: {  	(tm) =	ssettm $0x7FFFFFFF  }
0xc3: {  	_ =	shalt  }
tec
execute0_lowered:
.L_overlay_start_1:
0x0: {  	(tag) =	ssettag $0x1  }
0x1: {  	s0 =	srdreg.scid  }
0x2: {  	s9 =	stileid.u32;
	s1 =	rddreg [dreg:$0x0]  }
0x3: {  	s4 =	rddreg [dreg:$0x1];
	s3 =	simm.s32 $0x0;
	s12 =	simm.s32 $0x80  }
0x4: {  	s14 =	simm.s32 $0x6900;
	s18 =	simm.s32 $0xA900;
	s22 =	simm.s32 $0xE900  }
0x5: {  	s29 =	simm.s32 $0x14900;
	s30 =	simm.s32 $0x6800;
	s31 =	simm.s32 $0x16900  }
0x6: {  	s11 =	simm.s32 $0x3;
	s13 =	simm.s32 $0x4;
	s15 =	simm.s32 $0x5  }
0x7: {  	s16 =	simm.s32 $0x6;
	s17 =	simm.s32 $0x7;
	s19 =	simm.s32 $0x8  }
0x8: {  	s20 =	simm.s32 $0x9;
	s21 =	simm.s32 $0xA;
	s6 =	smul.u32 $0xC800, s9  }
0x9: {  	s0 =	sand.u32 $0x1, s0;
	s2 =	sshll.u32 s9, $0x1;
	s24 =	smul.u32 $0xC8000, s9  }
0xa: {  	[smem:$0x7FF] =	sst s3;
	s3 =	sadd.s32 $0xF42E00, s1;
	s8 =	smul.u32 $0x6400, s0  }
0xb: {  	s2 =	sor.u32 s0, s2;
	s5 =	ssub.s32 $0x2, s0;
	s0 =	smul.u32 $0x64000, s0  }
0xc: {  	s1 =	sadd.s32 $0xA00, s1;
	_ =	strace $0x80000047;
	s2 =	smul.u32 $0x6400, s2  }
0xd: {  	s7 =	sshrl.u32 s5, $0x1;
	s28 =	sadd.s32 s24, s1;
	s24 =	simm.s32 $0x0  }
0xe: {  	s5 =	ssub.s32 s5, s7;
	s6 =	sadd.s32 s8, s6;
	s2 =	sshrl.u32 s2, $0x3  }
0xf: {  	s25 =	sshll.u32 s6, $0x4;
	s26 =	smax.u32 s5, $0x1;
	s6 =	sadd.s32 s0, s28  }
.Ltmp0:
0x10: {  	s0 =	simm.s32 $0x18900;
	s5 =	simm.s32 $0x2;
	(pc) =	sbr.rel .LBB2_1-.Ltmp0, $4  }
0x11: {  	s2 =	sadd.s32 s4, s2;
	[dreg:$0x4] =	wrdreg s26;
	s1 =	sadd.s32 s1, s25  }
0x12: {  	s26 =	simm.s32 $0x12900;
	s4 =	simm.s32 $0x40;
	[dreg:$0x3] =	wrdreg s2  }
0x13: {  	s7 =	sadd.s32 $0x1000, s1;
	s8 =	sadd.s32 $0x2000, s1;
	s9 =	sadd.s32 $0x3000, s1  }
0x14: {  	s10 =	sadd.s32 $0x4000, s1;
	s1 =	simm.s32 $0x6880;
	s2 =	simm.s32 $0x1  }
.LBB2_12:
0x15: {  	_ =	swait.ge [sflag:s16], $0x4000  }
0x16: {  	[sflag:s16] =	ssyncset.done $0x0  }
0x17: {  	[sflag:s16] =	ssyncadd.s32 $0xFFFFC000  }
0x18: {  	_ =	swait.ge [sflag:s17], $0x4000  }
0x19: {  	[sflag:s17] =	ssyncset.done $0x0  }
0x1a: {  	[sflag:s17] =	ssyncadd.s32 $0xFFFFC000  }
0x1b: {  	_ =	swait.ge [sflag:s19], $0x4000  }
0x1c: {  	[sflag:s19] =	ssyncset.done $0x0  }
0x1d: {  	[sflag:s19] =	ssyncadd.s32 $0xFFFFC000  }
0x1e: {  	_ =	swait.ge [sflag:s20], $0x4000  }
0x1f: {  	[sflag:s20] =	ssyncset.done $0x0  }
0x20: {  	[sflag:s20] =	ssyncadd.s32 $0xFFFFC000  }
0x21: {  	_ =	swait.ge [sflag:s21], $0x4000  }
0x22: {  	s24 =	rddreg [dreg:$0x5]  }
0x23: {  	s23 =	rddreg [dreg:$0x4];
	s24 =	sadd.s32 $0x1, s24  }
0x24: {  	p0 =	sne.s32 s24, s23  }
.Ltmp1:
0x25: {  	_ = 	snop;
	(pc) =	sbr.rel @!p0 .LBB2_13-.Ltmp1, $3  }
0x26: {  	_ =	sdelay $0x1  }
0x27: {  	[sflag:s21] =	ssyncset.done $0x0  }
0x28: {  	[sflag:s21] =	ssyncadd.s32 $0xFFFFC000  }
.LBB2_1:
0x29: {  	[dreg:$0x5] =	wrdreg s24  }
0x2a: {  	s23 =	simm.s32 $0x0;
	s25 =	rddreg [dreg:$0x3];
	s28 =	simm.s32 $0xB  }
0x2b: {  	[tilespmem:s23], [sflag:$0xB] =	stream.linear.gather [hbm4b:s25+s23], $0x6400, $0x38;
	[tilespmem:$0x1A900] =	vst v63  }
0x2c: {  	_ =	swait.ge [sflag:s28], $0x6400  }
0x2d: {  	[sflag:s28] =	ssyncset.done $0x0  }
0x2e: {  	[sflag:s28] =	ssyncadd.s32 $0xFFFF9C00  }
0x2f: {  	v0 =	vld [tilespmem:$0x0]  }
0x30: {  	v1 =	vld [tilespmem:$0x10]  }
0x31: {  	v2 =	vld [tilespmem:$0x20]  }
0x32: {  	v3 =	vld [tilespmem:$0x30]  }
0x33: {  	v4 =	vld [tilespmem:$0x40]  }
0x34: {  	v5 =	vld [tilespmem:$0x50];
	vm0 =	veq.s32 v0, $0x0;
	v0 =	vshll.u32 v0, $0x1  }
0x35: {  	v6 =	vld [tilespmem:$0x60];
	vm9 =	veq.s32 v1, $0x0;
	v1 =	vshll.u32 v1, $0x1;
	v0 =	vsel vm0, $0x1, v0  }
0x36: {  	v18 =	vld [tilespmem:$0x70];
	vm10 =	veq.s32 v2, $0x0;
	v17 =	vshll.u32 v2, $0x1;
	v16 =	vsel vm9, $0x1, v1;
	[tilespmem:$0x6400] =	vst v0  }
0x37: {  	v21 =	vld [tilespmem:$0x80];
	vm11 =	veq.s32 v3, $0x0;
	v20 =	vshll.u32 v3, $0x1;
	v19 =	vsel vm10, $0x1, v17;
	[tilespmem:$0x6410] =	vst v16  }
0x38: {  	v24 =	vld [tilespmem:$0x90];
	vm12 =	veq.s32 v4, $0x0;
	v23 =	vshll.u32 v4, $0x1;
	v22 =	vsel vm11, $0x1, v20;
	[tilespmem:$0x6420] =	vst v19  }
0x39: {  	v27 =	vld [tilespmem:$0xA0];
	vm13 =	veq.s32 v5, $0x0;
	v26 =	vshll.u32 v5, $0x1;
	v25 =	vsel vm12, $0x1, v23;
	[tilespmem:$0x6430] =	vst v22  }
0x3a: {  	v30 =	vld [tilespmem:$0xB0];
	vm14 =	veq.s32 v6, $0x0;
	v29 =	vshll.u32 v6, $0x1;
	v28 =	vsel vm13, $0x1, v26;
	[tilespmem:$0x6440] =	vst v25  }
0x3b: {  	v33 =	vld [tilespmem:$0xC0];
	vm15 =	veq.s32 v18, $0x0;
	v32 =	vshll.u32 v18, $0x1;
	v31 =	vsel vm14, $0x1, v29;
	[tilespmem:$0x6450] =	vst v28  }
0x3c: {  	v36 =	vld [tilespmem:$0xD0];
	vm4 =	veq.s32 v21, $0x0;
	v35 =	vshll.u32 v21, $0x1;
	v34 =	vsel vm15, $0x1, v32;
	[tilespmem:$0x6460] =	vst v31  }
0x3d: {  	v39 =	vld [tilespmem:$0xE0];
	vm5 =	veq.s32 v24, $0x0;
	v38 =	vshll.u32 v24, $0x1;
	v37 =	vsel vm4, $0x1, v35;
	[tilespmem:$0x6470] =	vst v34  }
0x3e: {  	v42 =	vld [tilespmem:$0xF0];
	vm6 =	veq.s32 v27, $0x0;
	v41 =	vshll.u32 v27, $0x1;
	v40 =	vsel vm5, $0x1, v38;
	[tilespmem:$0x6480] =	vst v37  }
0x3f: {  	vm7 =	veq.s32 v30, $0x0;
	v44 =	vshll.u32 v30, $0x1;
	v43 =	vsel vm6, $0x1, v41;
	[tilespmem:$0x6490] =	vst v40  }
0x40: {  	vm8 =	veq.s32 v33, $0x0;
	v46 =	vshll.u32 v33, $0x1;
	v45 =	vsel vm7, $0x1, v44;
	[tilespmem:$0x64A0] =	vst v43  }
0x41: {  	v48 =	vshll.u32 v36, $0x1;
	v47 =	vsel vm8, $0x1, v46;
	vm9 =	veq.s32 v36, $0x0;
	[tilespmem:$0x64B0] =	vst v45  }
0x42: {  	v50 =	vshll.u32 v39, $0x1;
	vm10 =	veq.s32 v39, $0x0;
	[tilespmem:$0x64C0] =	vst v47;
	v49 =	vsel vm9, $0x1, v48  }
0x43: {  	v52 =	vshll.u32 v42, $0x1;
	vm11 =	veq.s32 v42, $0x0;
	v51 =	vsel vm10, $0x1, v50;
	[tilespmem:$0x64D0] =	vst v49  }
0x44: {  	v53 =	vsel vm11, $0x1, v52;
	[tilespmem:$0x64E0] =	vst v51  }
0x45: {  	s24 =	simm.s32 $0x6400;
	[tilespmem:$0x64F0] =	vst v53  }
0x46: {  	[tilespmem:s14], [sflag:$0x1] =	stream.indirect.gather [hbm4b:s3+s12], $0x40, s24, s12, $0xb8;
	[tilespmem:$0x1A900] =	vst v63  }
0x47: {  	s25 =	simm.s32 $0x6480;
	s28 =	simm.s32 $0x8900  }
0x48: {  	[tilespmem:s28], [sflag:$0x1] =	stream.indirect.gather [hbm4b:s3+s12], $0x40, s25, s12, $0xb8;
	[tilespmem:$0x1A900] =	vst v63  }
0x49: {  	v54 =	vld [tilespmem:$0x100]  }
0x4a: {  	v55 =	vld [tilespmem:$0x110]  }
0x4b: {  	v56 =	vld [tilespmem:$0x120]  }
0x4c: {  	v57 =	vld [tilespmem:$0x130]  }
0x4d: {  	v58 =	vld [tilespmem:$0x140]  }
0x4e: {  	v59 =	vld [tilespmem:$0x150];
	vm12 =	veq.s32 v54, $0x0;
	v0 =	vshll.u32 v54, $0x1  }
0x4f: {  	v60 =	vld [tilespmem:$0x160];
	vm13 =	veq.s32 v55, $0x0;
	v1 =	vshll.u32 v55, $0x1;
	v0 =	vsel vm12, $0x1, v0  }
0x50: {  	v63 =	vld [tilespmem:$0x170];
	vm14 =	veq.s32 v56, $0x0;
	v62 =	vshll.u32 v56, $0x1;
	v61 =	vsel vm13, $0x1, v1;
	[tilespmem:$0x6500] =	vst v0  }
0x51: {  	v9 =	vld [tilespmem:$0x180];
	vm15 =	veq.s32 v57, $0x0;
	v8 =	vshll.u32 v57, $0x1;
	v7 =	vsel vm14, $0x1, v62;
	[tilespmem:$0x6510] =	vst v61  }
0x52: {  	v12 =	vld [tilespmem:$0x190];
	vm4 =	veq.s32 v58, $0x0;
	v11 =	vshll.u32 v58, $0x1;
	v10 =	vsel vm15, $0x1, v8;
	[tilespmem:$0x6520] =	vst v7  }
0x53: {  	v15 =	vld [tilespmem:$0x1A0];
	vm5 =	veq.s32 v59, $0x0;
	v14 =	vshll.u32 v59, $0x1;
	v13 =	vsel vm4, $0x1, v11;
	[tilespmem:$0x6530] =	vst v10  }
0x54: {  	v18 =	vld [tilespmem:$0x1B0];
	vm6 =	veq.s32 v60, $0x0;
	v17 =	vshll.u32 v60, $0x1;
	v16 =	vsel vm5, $0x1, v14;
	[tilespmem:$0x6540] =	vst v13  }
0x55: {  	v21 =	vld [tilespmem:$0x1C0];
	vm7 =	veq.s32 v63, $0x0;
	v20 =	vshll.u32 v63, $0x1;
	v19 =	vsel vm6, $0x1, v17;
	[tilespmem:$0x6550] =	vst v16  }
0x56: {  	v24 =	vld [tilespmem:$0x1D0];
	vm8 =	veq.s32 v9, $0x0;
	v23 =	vshll.u32 v9, $0x1;
	v22 =	vsel vm7, $0x1, v20;
	[tilespmem:$0x6560] =	vst v19  }
0x57: {  	v27 =	vld [tilespmem:$0x1E0];
	vm9 =	veq.s32 v12, $0x0;
	v26 =	vshll.u32 v12, $0x1;
	v25 =	vsel vm8, $0x1, v23;
	[tilespmem:$0x6570] =	vst v22  }
0x58: {  	v30 =	vld [tilespmem:$0x1F0];
	vm10 =	veq.s32 v15, $0x0;
	v29 =	vshll.u32 v15, $0x1;
	v28 =	vsel vm9, $0x1, v26;
	[tilespmem:$0x6580] =	vst v25  }
0x59: {  	vm11 =	veq.s32 v18, $0x0;
	v32 =	vshll.u32 v18, $0x1;
	v31 =	vsel vm10, $0x1, v29;
	[tilespmem:$0x6590] =	vst v28  }
0x5a: {  	v34 =	vshll.u32 v21, $0x1;
	v33 =	vsel vm11, $0x1, v32;
	vm12 =	veq.s32 v21, $0x0;
	[tilespmem:$0x65A0] =	vst v31  }
0x5b: {  	v36 =	vshll.u32 v24, $0x1;
	vm13 =	veq.s32 v24, $0x0;
	[tilespmem:$0x65B0] =	vst v33;
	v35 =	vsel vm12, $0x1, v34  }
0x5c: {  	v38 =	vshll.u32 v27, $0x1;
	vm14 =	veq.s32 v27, $0x0;
	v37 =	vsel vm13, $0x1, v36;
	[tilespmem:$0x65C0] =	vst v35  }
0x5d: {  	v40 =	vshll.u32 v30, $0x1;
	vm15 =	veq.s32 v30, $0x0;
	v39 =	vsel vm14, $0x1, v38;
	[tilespmem:$0x65D0] =	vst v37  }
0x5e: {  	v41 =	vsel vm15, $0x1, v40;
	[tilespmem:$0x65E0] =	vst v39  }
0x5f: {  	s24 =	simm.s32 $0x6500;
	[tilespmem:$0x65F0] =	vst v41  }
0x60: {  	[tilespmem:s18], [sflag:$0x2] =	stream.indirect.gather [hbm4b:s3+s12], $0x40, s24, s12, $0xb8;
	[tilespmem:$0x1A900] =	vst v63  }
0x61: {  	s25 =	simm.s32 $0x6580;
	s28 =	simm.s32 $0xC900  }
0x62: {  	[tilespmem:s28], [sflag:$0x2] =	stream.indirect.gather [hbm4b:s3+s12], $0x40, s25, s12, $0xb8;
	[tilespmem:$0x1A900] =	vst v63  }
0x63: {  	v42 =	vld [tilespmem:$0x200]  }
0x64: {  	v43 =	vld [tilespmem:$0x210]  }
0x65: {  	v44 =	vld [tilespmem:$0x220]  }
0x66: {  	v45 =	vld [tilespmem:$0x230]  }
0x67: {  	v46 =	vld [tilespmem:$0x240]  }
0x68: {  	v47 =	vld [tilespmem:$0x250];
	vm4 =	veq.s32 v42, $0x0;
	v0 =	vshll.u32 v42, $0x1  }
0x69: {  	v48 =	vld [tilespmem:$0x260];
	vm5 =	veq.s32 v43, $0x0;
	v1 =	vshll.u32 v43, $0x1;
	v0 =	vsel vm4, $0x1, v0  }
0x6a: {  	v51 =	vld [tilespmem:$0x270];
	vm6 =	veq.s32 v44, $0x0;
	v50 =	vshll.u32 v44, $0x1;
	v49 =	vsel vm5, $0x1, v1;
	[tilespmem:$0x6600] =	vst v0  }
0x6b: {  	v54 =	vld [tilespmem:$0x280];
	vm7 =	veq.s32 v45, $0x0;
	v53 =	vshll.u32 v45, $0x1;
	v52 =	vsel vm6, $0x1, v50;
	[tilespmem:$0x6610] =	vst v49  }
0x6c: {  	v57 =	vld [tilespmem:$0x290];
	vm8 =	veq.s32 v46, $0x0;
	v56 =	vshll.u32 v46, $0x1;
	v55 =	vsel vm7, $0x1, v53;
	[tilespmem:$0x6620] =	vst v52  }
0x6d: {  	v60 =	vld [tilespmem:$0x2A0];
	vm9 =	veq.s32 v47, $0x0;
	v59 =	vshll.u32 v47, $0x1;
	v58 =	vsel vm8, $0x1, v56;
	[tilespmem:$0x6630] =	vst v55  }
0x6e: {  	v63 =	vld [tilespmem:$0x2B0];
	vm10 =	veq.s32 v48, $0x0;
	v62 =	vshll.u32 v48, $0x1;
	v61 =	vsel vm9, $0x1, v59;
	[tilespmem:$0x6640] =	vst v58  }
0x6f: {  	v9 =	vld [tilespmem:$0x2C0];
	vm11 =	veq.s32 v51, $0x0;
	v8 =	vshll.u32 v51, $0x1;
	v7 =	vsel vm10, $0x1, v62;
	[tilespmem:$0x6650] =	vst v61  }
0x70: {  	v12 =	vld [tilespmem:$0x2D0];
	vm12 =	veq.s32 v54, $0x0;
	v11 =	vshll.u32 v54, $0x1;
	v10 =	vsel vm11, $0x1, v8;
	[tilespmem:$0x6660] =	vst v7  }
0x71: {  	v15 =	vld [tilespmem:$0x2E0];
	vm13 =	veq.s32 v57, $0x0;
	v14 =	vshll.u32 v57, $0x1;
	v13 =	vsel vm12, $0x1, v11;
	[tilespmem:$0x6670] =	vst v10  }
0x72: {  	v18 =	vld [tilespmem:$0x2F0];
	vm14 =	veq.s32 v60, $0x0;
	v17 =	vshll.u32 v60, $0x1;
	v16 =	vsel vm13, $0x1, v14;
	[tilespmem:$0x6680] =	vst v13  }
0x73: {  	vm15 =	veq.s32 v63, $0x0;
	v20 =	vshll.u32 v63, $0x1;
	v19 =	vsel vm14, $0x1, v17;
	[tilespmem:$0x6690] =	vst v16  }
0x74: {  	v22 =	vshll.u32 v9, $0x1;
	v21 =	vsel vm15, $0x1, v20;
	vm4 =	veq.s32 v9, $0x0;
	[tilespmem:$0x66A0] =	vst v19  }
0x75: {  	v24 =	vshll.u32 v12, $0x1;
	vm5 =	veq.s32 v12, $0x0;
	[tilespmem:$0x66B0] =	vst v21;
	v23 =	vsel vm4, $0x1, v22  }
0x76: {  	v26 =	vshll.u32 v15, $0x1;
	vm6 =	veq.s32 v15, $0x0;
	v25 =	vsel vm5, $0x1, v24;
	[tilespmem:$0x66C0] =	vst v23  }
0x77: {  	v28 =	vshll.u32 v18, $0x1;
	vm7 =	veq.s32 v18, $0x0;
	v27 =	vsel vm6, $0x1, v26;
	[tilespmem:$0x66D0] =	vst v25  }
0x78: {  	v29 =	vsel vm7, $0x1, v28;
	[tilespmem:$0x66E0] =	vst v27  }
0x79: {  	s24 =	simm.s32 $0x6600;
	[tilespmem:$0x66F0] =	vst v29  }
0x7a: {  	[tilespmem:s22], [sflag:$0x3] =	stream.indirect.gather [hbm4b:s3+s12], $0x40, s24, s12, $0xb8;
	[tilespmem:$0x1A900] =	vst v63  }
0x7b: {  	s25 =	simm.s32 $0x6680;
	s28 =	simm.s32 $0x10900  }
0x7c: {  	[tilespmem:s28], [sflag:$0x3] =	stream.indirect.gather [hbm4b:s3+s12], $0x40, s25, s12, $0xb8;
	[tilespmem:$0x1A900] =	vst v63  }
0x7d: {  	v30 =	vld [tilespmem:$0x300]  }
0x7e: {  	v31 =	vld [tilespmem:$0x310]  }
0x7f: {  	v32 =	vld [tilespmem:$0x320]  }
0x80: {  	v33 =	vld [tilespmem:$0x330]  }
0x81: {  	v34 =	vld [tilespmem:$0x340]  }
0x82: {  	v35 =	vld [tilespmem:$0x350];
	vm8 =	veq.s32 v30, $0x0;
	v0 =	vshll.u32 v30, $0x1  }
0x83: {  	v36 =	vld [tilespmem:$0x360];
	vm9 =	veq.s32 v31, $0x0;
	v1 =	vshll.u32 v31, $0x1;
	v0 =	vsel vm8, $0x1, v0  }
0x84: {  	v39 =	vld [tilespmem:$0x370];
	vm10 =	veq.s32 v32, $0x0;
	v38 =	vshll.u32 v32, $0x1;
	v37 =	vsel vm9, $0x1, v1;
	[tilespmem:$0x6700] =	vst v0  }
0x85: {  	v42 =	vld [tilespmem:$0x380];
	vm11 =	veq.s32 v33, $0x0;
	v41 =	vshll.u32 v33, $0x1;
	v40 =	vsel vm10, $0x1, v38;
	[tilespmem:$0x6710] =	vst v37  }
0x86: {  	v45 =	vld [tilespmem:$0x390];
	vm12 =	veq.s32 v34, $0x0;
	v44 =	vshll.u32 v34, $0x1;
	v43 =	vsel vm11, $0x1, v41;
	[tilespmem:$0x6720] =	vst v40  }
0x87: {  	v48 =	vld [tilespmem:$0x3A0];
	vm13 =	veq.s32 v35, $0x0;
	v47 =	vshll.u32 v35, $0x1;
	v46 =	vsel vm12, $0x1, v44;
	[tilespmem:$0x6730] =	vst v43  }
0x88: {  	v51 =	vld [tilespmem:$0x3B0];
	vm14 =	veq.s32 v36, $0x0;
	v50 =	vshll.u32 v36, $0x1;
	v49 =	vsel vm13, $0x1, v47;
	[tilespmem:$0x6740] =	vst v46  }
0x89: {  	v54 =	vld [tilespmem:$0x3C0];
	vm15 =	veq.s32 v39, $0x0;
	v53 =	vshll.u32 v39, $0x1;
	v52 =	vsel vm14, $0x1, v50;
	[tilespmem:$0x6750] =	vst v49  }
0x8a: {  	v57 =	vld [tilespmem:$0x3D0];
	vm4 =	veq.s32 v42, $0x0;
	v56 =	vshll.u32 v42, $0x1;
	v55 =	vsel vm15, $0x1, v53;
	[tilespmem:$0x6760] =	vst v52  }
0x8b: {  	v60 =	vld [tilespmem:$0x3E0];
	vm5 =	veq.s32 v45, $0x0;
	v59 =	vshll.u32 v45, $0x1;
	v58 =	vsel vm4, $0x1, v56;
	[tilespmem:$0x6770] =	vst v55  }
0x8c: {  	v63 =	vld [tilespmem:$0x3F0];
	vm6 =	veq.s32 v48, $0x0;
	v62 =	vshll.u32 v48, $0x1;
	v61 =	vsel vm5, $0x1, v59;
	[tilespmem:$0x6780] =	vst v58  }
0x8d: {  	vm7 =	veq.s32 v51, $0x0;
	v9 =	vshll.u32 v51, $0x1;
	v8 =	vsel vm6, $0x1, v62;
	[tilespmem:$0x6790] =	vst v61  }
0x8e: {  	v11 =	vshll.u32 v54, $0x1;
	v10 =	vsel vm7, $0x1, v9;
	vm8 =	veq.s32 v54, $0x0;
	[tilespmem:$0x67A0] =	vst v8  }
0x8f: {  	v13 =	vshll.u32 v57, $0x1;
	vm9 =	veq.s32 v57, $0x0;
	[tilespmem:$0x67B0] =	vst v10;
	v12 =	vsel vm8, $0x1, v11  }
0x90: {  	v15 =	vshll.u32 v60, $0x1;
	vm10 =	veq.s32 v60, $0x0;
	v14 =	vsel vm9, $0x1, v13;
	[tilespmem:$0x67C0] =	vst v12  }
0x91: {  	v17 =	vshll.u32 v63, $0x1;
	vm11 =	veq.s32 v63, $0x0;
	v16 =	vsel vm10, $0x1, v15;
	[tilespmem:$0x67D0] =	vst v14  }
0x92: {  	v18 =	vsel vm11, $0x1, v17;
	[tilespmem:$0x67E0] =	vst v16  }
0x93: {  	s25 =	simm.s32 $0x6700;
	[tilespmem:$0x67F0] =	vst v18  }
0x94: {  	[tilespmem:s26], [sflag:$0x4] =	stream.indirect.gather [hbm4b:s3+s12], $0x40, s25, s12, $0xb8;
	[tilespmem:$0x1A900] =	vst v63  }
0x95: {  	s28 =	simm.s32 $0x6780  }
0x96: {  	[tilespmem:s29], [sflag:$0x4] =	stream.indirect.gather [hbm4b:s3+s12], $0x40, s28, s12, $0xb8;
	[tilespmem:$0x1A900] =	vst v63  }
0x97: {  	v19 =	vld [tilespmem:$0x400]  }
0x98: {  	v20 =	vld [tilespmem:$0x410]  }
0x99: {  	v21 =	vld [tilespmem:$0x420]  }
0x9a: {  	v22 =	vld [tilespmem:$0x430]  }
0x9b: {  	v23 =	vld [tilespmem:$0x440]  }
0x9c: {  	v24 =	vld [tilespmem:$0x450];
	vm12 =	veq.s32 v19, $0x0;
	v0 =	vshll.u32 v19, $0x1  }
0x9d: {  	v25 =	vld [tilespmem:$0x460];
	vm13 =	veq.s32 v20, $0x0;
	v1 =	vshll.u32 v20, $0x1;
	v0 =	vsel vm12, $0x1, v0  }
0x9e: {  	v28 =	vld [tilespmem:$0x470];
	vm14 =	veq.s32 v21, $0x0;
	v27 =	vshll.u32 v21, $0x1;
	v26 =	vsel vm13, $0x1, v1;
	[tilespmem:$0x6800] =	vst v0  }
0x9f: {  	v31 =	vld [tilespmem:$0x480];
	vm15 =	veq.s32 v22, $0x0;
	v30 =	vshll.u32 v22, $0x1;
	v29 =	vsel vm14, $0x1, v27;
	[tilespmem:$0x6810] =	vst v26  }
0xa0: {  	v34 =	vld [tilespmem:$0x490];
	vm4 =	veq.s32 v23, $0x0;
	v33 =	vshll.u32 v23, $0x1;
	v32 =	vsel vm15, $0x1, v30;
	[tilespmem:$0x6820] =	vst v29  }
0xa1: {  	v37 =	vld [tilespmem:$0x4A0];
	vm5 =	veq.s32 v24, $0x0;
	v36 =	vshll.u32 v24, $0x1;
	v35 =	vsel vm4, $0x1, v33;
	[tilespmem:$0x6830] =	vst v32  }
0xa2: {  	v40 =	vld [tilespmem:$0x4B0];
	vm6 =	veq.s32 v25, $0x0;
	v39 =	vshll.u32 v25, $0x1;
	v38 =	vsel vm5, $0x1, v36;
	[tilespmem:$0x6840] =	vst v35  }
0xa3: {  	v43 =	vld [tilespmem:$0x4C0];
	vm7 =	veq.s32 v28, $0x0;
	v42 =	vshll.u32 v28, $0x1;
	v41 =	vsel vm6, $0x1, v39;
	[tilespmem:$0x6850] =	vst v38  }
0xa4: {  	v46 =	vld [tilespmem:$0x4D0];
	vm8 =	veq.s32 v31, $0x0;
	v45 =	vshll.u32 v31, $0x1;
	v44 =	vsel vm7, $0x1, v42;
	[tilespmem:$0x6860] =	vst v41  }
0xa5: {  	v49 =	vld [tilespmem:$0x4E0];
	vm9 =	veq.s32 v34, $0x0;
	v48 =	vshll.u32 v34, $0x1;
	v47 =	vsel vm8, $0x1, v45;
	[tilespmem:$0x6870] =	vst v44  }
0xa6: {  	v52 =	vld [tilespmem:$0x4F0];
	vm10 =	veq.s32 v37, $0x0;
	v51 =	vshll.u32 v37, $0x1;
	v50 =	vsel vm9, $0x1, v48;
	[tilespmem:$0x6880] =	vst v47  }
0xa7: {  	vm11 =	veq.s32 v40, $0x0;
	v54 =	vshll.u32 v40, $0x1;
	v53 =	vsel vm10, $0x1, v51;
	[tilespmem:$0x6890] =	vst v50  }
0xa8: {  	v56 =	vshll.u32 v43, $0x1;
	v55 =	vsel vm11, $0x1, v54;
	vm12 =	veq.s32 v43, $0x0;
	[tilespmem:$0x68A0] =	vst v53  }
0xa9: {  	v58 =	vshll.u32 v46, $0x1;
	vm13 =	veq.s32 v46, $0x0;
	[tilespmem:$0x68B0] =	vst v55;
	v57 =	vsel vm12, $0x1, v56  }
0xaa: {  	v60 =	vshll.u32 v49, $0x1;
	vm14 =	veq.s32 v49, $0x0;
	v59 =	vsel vm13, $0x1, v58;
	[tilespmem:$0x68C0] =	vst v57  }
0xab: {  	v62 =	vshll.u32 v52, $0x1;
	vm15 =	veq.s32 v52, $0x0;
	v61 =	vsel vm14, $0x1, v60;
	[tilespmem:$0x68D0] =	vst v59  }
0xac: {  	v63 =	vsel vm15, $0x1, v62;
	[tilespmem:$0x68E0] =	vst v61  }
0xad: {  	[tilespmem:$0x68F0] =	vst v63  }
0xae: {  	[tilespmem:s31], [sflag:$0x5] =	stream.indirect.gather [hbm4b:s3+s12], $0x40, s30, s12, $0xb8;
	[tilespmem:$0x1A900] =	vst v63  }
0xaf: {  	s23 =	simm.s32 $0x9F0;
	s24 =	simm.s32 $0x0  }
0xb0: {  	[tilespmem:s0], [sflag:$0x5] =	stream.indirect.gather [hbm4b:s3+s12], $0x40, s1, s12, $0xb8;
	[tilespmem:$0x1A900] =	vst v63  }
.LBB2_2:
0xb1: {  	p0 =	seq.s32 s24, $0x5F000  }
.Ltmp2:
0xb2: {  	_ = 	snop;
	(pc) =	sbr.rel @p0 .LBB2_4-.Ltmp2, $4  }
0xb3: {  	_ =	swait.ge [sflag:s2], $0x4000  }
0xb4: {  	[sflag:s2] =	ssyncset.done $0x0  }
0xb5: {  	s25 =	sadd.s32 s24, s6;
	[sflag:s2] =	ssyncadd.s32 $0xFFFFC000  }
0xb6: {  	[hbm4b:s25+s4] =	stream.strided.scatter [tilespmem:s14], [sflag:$0x6], $0x4000, s12, s4, $0x38;
	[tilespmem:$0x1A900] =	vst v63  }
0xb7: {  	_ =	swait.ge [sflag:s16], $0x4000  }
0xb8: {  	[sflag:s16] =	ssyncset.done $0x0  }
0xb9: {  	[sflag:s16] =	ssyncadd.s32 $0xFFFFC000  }
0xba: {  	v0 =	vld [tilespmem:s23+$0xFFFFFB10];
	_ =	sdelay $0x4  }
0xbb: {  	vm0 =	veq.s32 v0, $0x0;
	v0 =	vshll.u32 v0, $0x1  }
0xbc: {  	v0 =	vsel vm0, $0x1, v0  }
0xbd: {  	[tilespmem:$0x6400] =	vst v0  }
0xbe: {  	v0 =	vld [tilespmem:s23+$0xFFFFFB20];
	_ =	sdelay $0x4  }
0xbf: {  	vm13 =	veq.s32 v0, $0x0;
	v0 =	vshll.u32 v0, $0x1  }
0xc0: {  	v0 =	vsel vm13, $0x1, v0  }
0xc1: {  	[tilespmem:$0x6410] =	vst v0  }
0xc2: {  	v0 =	vld [tilespmem:s23+$0xFFFFFB30];
	_ =	sdelay $0x4  }
0xc3: {  	vm14 =	veq.s32 v0, $0x0;
	v0 =	vshll.u32 v0, $0x1  }
0xc4: {  	v0 =	vsel vm14, $0x1, v0  }
0xc5: {  	[tilespmem:$0x6420] =	vst v0  }
0xc6: {  	v0 =	vld [tilespmem:s23+$0xFFFFFB40];
	_ =	sdelay $0x4  }
0xc7: {  	vm15 =	veq.s32 v0, $0x0;
	v0 =	vshll.u32 v0, $0x1  }
0xc8: {  	v0 =	vsel vm15, $0x1, v0  }
0xc9: {  	[tilespmem:$0x6430] =	vst v0  }
0xca: {  	v0 =	vld [tilespmem:s23+$0xFFFFFB50];
	_ =	sdelay $0x4  }
0xcb: {  	vm4 =	veq.s32 v0, $0x0;
	v0 =	vshll.u32 v0, $0x1  }
0xcc: {  	v0 =	vsel vm4, $0x1, v0  }
0xcd: {  	[tilespmem:$0x6440] =	vst v0  }
0xce: {  	v0 =	vld [tilespmem:s23+$0xFFFFFB60];
	_ =	sdelay $0x4  }
0xcf: {  	vm5 =	veq.s32 v0, $0x0;
	v0 =	vshll.u32 v0, $0x1  }
0xd0: {  	v0 =	vsel vm5, $0x1, v0  }
0xd1: {  	[tilespmem:$0x6450] =	vst v0  }
0xd2: {  	v0 =	vld [tilespmem:s23+$0xFFFFFB70];
	_ =	sdelay $0x4  }
0xd3: {  	vm6 =	veq.s32 v0, $0x0;
	v0 =	vshll.u32 v0, $0x1  }
0xd4: {  	v0 =	vsel vm6, $0x1, v0  }
0xd5: {  	[tilespmem:$0x6460] =	vst v0  }
0xd6: {  	v0 =	vld [tilespmem:s23+$0xFFFFFB80];
	_ =	sdelay $0x4  }
0xd7: {  	vm7 =	veq.s32 v0, $0x0;
	v0 =	vshll.u32 v0, $0x1  }
0xd8: {  	v0 =	vsel vm7, $0x1, v0  }
0xd9: {  	[tilespmem:$0x6470] =	vst v0  }
0xda: {  	v0 =	vld [tilespmem:s23+$0xFFFFFB90];
	_ =	sdelay $0x4  }
0xdb: {  	vm8 =	veq.s32 v0, $0x0;
	v0 =	vshll.u32 v0, $0x1  }
0xdc: {  	v0 =	vsel vm8, $0x1, v0  }
0xdd: {  	[tilespmem:$0x6480] =	vst v0  }
0xde: {  	v0 =	vld [tilespmem:s23+$0xFFFFFBA0];
	_ =	sdelay $0x4  }
0xdf: {  	vm9 =	veq.s32 v0, $0x0;
	v0 =	vshll.u32 v0, $0x1  }
0xe0: {  	v0 =	vsel vm9, $0x1, v0  }
0xe1: {  	[tilespmem:$0x6490] =	vst v0  }
0xe2: {  	v0 =	vld [tilespmem:s23+$0xFFFFFBB0];
	_ =	sdelay $0x4  }
0xe3: {  	vm10 =	veq.s32 v0, $0x0;
	v0 =	vshll.u32 v0, $0x1  }
0xe4: {  	v0 =	vsel vm10, $0x1, v0  }
0xe5: {  	[tilespmem:$0x64A0] =	vst v0  }
0xe6: {  	v0 =	vld [tilespmem:s23+$0xFFFFFBC0];
	_ =	sdelay $0x4  }
0xe7: {  	vm11 =	veq.s32 v0, $0x0;
	v0 =	vshll.u32 v0, $0x1  }
0xe8: {  	v0 =	vsel vm11, $0x1, v0  }
0xe9: {  	[tilespmem:$0x64B0] =	vst v0  }
0xea: {  	v0 =	vld [tilespmem:s23+$0xFFFFFBD0];
	_ =	sdelay $0x4  }
0xeb: {  	vm12 =	veq.s32 v0, $0x0;
	v0 =	vshll.u32 v0, $0x1  }
0xec: {  	v0 =	vsel vm12, $0x1, v0  }
0xed: {  	[tilespmem:$0x64C0] =	vst v0  }
0xee: {  	v0 =	vld [tilespmem:s23+$0xFFFFFBE0];
	_ =	sdelay $0x4  }
0xef: {  	vm13 =	veq.s32 v0, $0x0;
	v0 =	vshll.u32 v0, $0x1  }
0xf0: {  	v0 =	vsel vm13, $0x1, v0  }
0xf1: {  	[tilespmem:$0x64D0] =	vst v0  }
0xf2: {  	v0 =	vld [tilespmem:s23+$0xFFFFFBF0];
	_ =	sdelay $0x4  }
0xf3: {  	vm14 =	veq.s32 v0, $0x0;
	v0 =	vshll.u32 v0, $0x1  }
0xf4: {  	v0 =	vsel vm14, $0x1, v0  }
0xf5: {  	[tilespmem:$0x64E0] =	vst v0  }
0xf6: {  	v0 =	vld [tilespmem:s23+$0xFFFFFC00];
	_ =	sdelay $0x4  }
0xf7: {  	vm15 =	veq.s32 v0, $0x0;
	v0 =	vshll.u32 v0, $0x1  }
0xf8: {  	v0 =	vsel vm15, $0x1, v0  }
0xf9: {  	s25 =	simm.s32 $0x6400;
	[tilespmem:$0x64F0] =	vst v0  }
0xfa: {  	[tilespmem:s14], [sflag:$0x1] =	stream.indirect.gather [hbm4b:s3+s12], $0x40, s25, s12, $0xb8;
	[tilespmem:$0x1A900] =	vst v63  }
0xfb: {  	s28 =	simm.s32 $0x8900;
	s25 =	simm.s32 $0x6480  }
0xfc: {  	[tilespmem:s28], [sflag:$0x1] =	stream.indirect.gather [hbm4b:s3+s12], $0x40, s25, s12, $0xb8;
	[tilespmem:$0x1A900] =	vst v63  }
.LBB2_4:
.Ltmp3:
0xfd: {  	(pc) =	sbr.rel @p0 .LBB2_6-.Ltmp3, $4  }
0xfe: {  	_ =	swait.ge [sflag:s5], $0x4000  }
0xff: {  	[sflag:s5] =	ssyncset.done $0x0  }
0x100: {  	s25 =	sadd.s32 s24, s7;
	[sflag:s5] =	ssyncadd.s32 $0xFFFFC000  }
0x101: {  	[hbm4b:s25+s4] =	stream.strided.scatter [tilespmem:s18], [sflag:$0x7], $0x4000, s12, s4, $0x38;
	[tilespmem:$0x1A900] =	vst v63  }
0x102: {  	_ =	swait.ge [sflag:s17], $0x4000  }
0x103: {  	[sflag:s17] =	ssyncset.done $0x0  }
0x104: {  	[sflag:s17] =	ssyncadd.s32 $0xFFFFC000  }
0x105: {  	v0 =	vld [tilespmem:s23+$0xFFFFFC10];
	_ =	sdelay $0x4  }
0x106: {  	vm0 =	veq.s32 v0, $0x0;
	v0 =	vshll.u32 v0, $0x1  }
0x107: {  	v0 =	vsel vm0, $0x1, v0  }
0x108: {  	[tilespmem:$0x6500] =	vst v0  }
0x109: {  	v0 =	vld [tilespmem:s23+$0xFFFFFC20];
	_ =	sdelay $0x4  }
0x10a: {  	vm13 =	veq.s32 v0, $0x0;
	v0 =	vshll.u32 v0, $0x1  }
0x10b: {  	v0 =	vsel vm13, $0x1, v0  }
0x10c: {  	[tilespmem:$0x6510] =	vst v0  }
0x10d: {  	v0 =	vld [tilespmem:s23+$0xFFFFFC30];
	_ =	sdelay $0x4  }
0x10e: {  	vm14 =	veq.s32 v0, $0x0;
	v0 =	vshll.u32 v0, $0x1  }
0x10f: {  	v0 =	vsel vm14, $0x1, v0  }
0x110: {  	[tilespmem:$0x6520] =	vst v0  }
0x111: {  	v0 =	vld [tilespmem:s23+$0xFFFFFC40];
	_ =	sdelay $0x4  }
0x112: {  	vm15 =	veq.s32 v0, $0x0;
	v0 =	vshll.u32 v0, $0x1  }
0x113: {  	v0 =	vsel vm15, $0x1, v0  }
0x114: {  	[tilespmem:$0x6530] =	vst v0  }
0x115: {  	v0 =	vld [tilespmem:s23+$0xFFFFFC50];
	_ =	sdelay $0x4  }
0x116: {  	vm4 =	veq.s32 v0, $0x0;
	v0 =	vshll.u32 v0, $0x1  }
0x117: {  	v0 =	vsel vm4, $0x1, v0  }
0x118: {  	[tilespmem:$0x6540] =	vst v0  }
0x119: {  	v0 =	vld [tilespmem:s23+$0xFFFFFC60];
	_ =	sdelay $0x4  }
0x11a: {  	vm5 =	veq.s32 v0, $0x0;
	v0 =	vshll.u32 v0, $0x1  }
0x11b: {  	v0 =	vsel vm5, $0x1, v0  }
0x11c: {  	[tilespmem:$0x6550] =	vst v0  }
0x11d: {  	v0 =	vld [tilespmem:s23+$0xFFFFFC70];
	_ =	sdelay $0x4  }
0x11e: {  	vm6 =	veq.s32 v0, $0x0;
	v0 =	vshll.u32 v0, $0x1  }
0x11f: {  	v0 =	vsel vm6, $0x1, v0  }
0x120: {  	[tilespmem:$0x6560] =	vst v0  }
0x121: {  	v0 =	vld [tilespmem:s23+$0xFFFFFC80];
	_ =	sdelay $0x4  }
0x122: {  	vm7 =	veq.s32 v0, $0x0;
	v0 =	vshll.u32 v0, $0x1  }
0x123: {  	v0 =	vsel vm7, $0x1, v0  }
0x124: {  	[tilespmem:$0x6570] =	vst v0  }
0x125: {  	v0 =	vld [tilespmem:s23+$0xFFFFFC90];
	_ =	sdelay $0x4  }
0x126: {  	vm8 =	veq.s32 v0, $0x0;
	v0 =	vshll.u32 v0, $0x1  }
0x127: {  	v0 =	vsel vm8, $0x1, v0  }
0x128: {  	[tilespmem:$0x6580] =	vst v0  }
0x129: {  	v0 =	vld [tilespmem:s23+$0xFFFFFCA0];
	_ =	sdelay $0x4  }
0x12a: {  	vm9 =	veq.s32 v0, $0x0;
	v0 =	vshll.u32 v0, $0x1  }
0x12b: {  	v0 =	vsel vm9, $0x1, v0  }
0x12c: {  	[tilespmem:$0x6590] =	vst v0  }
0x12d: {  	v0 =	vld [tilespmem:s23+$0xFFFFFCB0];
	_ =	sdelay $0x4  }
0x12e: {  	vm10 =	veq.s32 v0, $0x0;
	v0 =	vshll.u32 v0, $0x1  }
0x12f: {  	v0 =	vsel vm10, $0x1, v0  }
0x130: {  	[tilespmem:$0x65A0] =	vst v0  }
0x131: {  	v0 =	vld [tilespmem:s23+$0xFFFFFCC0];
	_ =	sdelay $0x4  }
0x132: {  	vm11 =	veq.s32 v0, $0x0;
	v0 =	vshll.u32 v0, $0x1  }
0x133: {  	v0 =	vsel vm11, $0x1, v0  }
0x134: {  	[tilespmem:$0x65B0] =	vst v0  }
0x135: {  	v0 =	vld [tilespmem:s23+$0xFFFFFCD0];
	_ =	sdelay $0x4  }
0x136: {  	vm12 =	veq.s32 v0, $0x0;
	v0 =	vshll.u32 v0, $0x1  }
0x137: {  	v0 =	vsel vm12, $0x1, v0  }
0x138: {  	[tilespmem:$0x65C0] =	vst v0  }
0x139: {  	v0 =	vld [tilespmem:s23+$0xFFFFFCE0];
	_ =	sdelay $0x4  }
0x13a: {  	vm13 =	veq.s32 v0, $0x0;
	v0 =	vshll.u32 v0, $0x1  }
0x13b: {  	v0 =	vsel vm13, $0x1, v0  }
0x13c: {  	[tilespmem:$0x65D0] =	vst v0  }
0x13d: {  	v0 =	vld [tilespmem:s23+$0xFFFFFCF0];
	_ =	sdelay $0x4  }
0x13e: {  	vm14 =	veq.s32 v0, $0x0;
	v0 =	vshll.u32 v0, $0x1  }
0x13f: {  	v0 =	vsel vm14, $0x1, v0  }
0x140: {  	[tilespmem:$0x65E0] =	vst v0  }
0x141: {  	v0 =	vld [tilespmem:s23+$0xFFFFFD00];
	_ =	sdelay $0x4  }
0x142: {  	vm15 =	veq.s32 v0, $0x0;
	v0 =	vshll.u32 v0, $0x1  }
0x143: {  	v0 =	vsel vm15, $0x1, v0  }
0x144: {  	s25 =	simm.s32 $0x6500;
	[tilespmem:$0x65F0] =	vst v0  }
0x145: {  	[tilespmem:s18], [sflag:$0x2] =	stream.indirect.gather [hbm4b:s3+s12], $0x40, s25, s12, $0xb8;
	[tilespmem:$0x1A900] =	vst v63  }
0x146: {  	s28 =	simm.s32 $0xC900;
	s25 =	simm.s32 $0x6580  }
0x147: {  	[tilespmem:s28], [sflag:$0x2] =	stream.indirect.gather [hbm4b:s3+s12], $0x40, s25, s12, $0xb8;
	[tilespmem:$0x1A900] =	vst v63  }
.LBB2_6:
.Ltmp4:
0x148: {  	(pc) =	sbr.rel @p0 .LBB2_8-.Ltmp4, $4  }
0x149: {  	_ =	swait.ge [sflag:s11], $0x4000  }
0x14a: {  	[sflag:s11] =	ssyncset.done $0x0  }
0x14b: {  	s25 =	sadd.s32 s24, s8;
	[sflag:s11] =	ssyncadd.s32 $0xFFFFC000  }
0x14c: {  	[hbm4b:s25+s4] =	stream.strided.scatter [tilespmem:s22], [sflag:$0x8], $0x4000, s12, s4, $0x38;
	[tilespmem:$0x1A900] =	vst v63  }
0x14d: {  	_ =	swait.ge [sflag:s19], $0x4000  }
0x14e: {  	[sflag:s19] =	ssyncset.done $0x0  }
0x14f: {  	[sflag:s19] =	ssyncadd.s32 $0xFFFFC000  }
0x150: {  	v0 =	vld [tilespmem:s23+$0xFFFFFD10];
	_ =	sdelay $0x4  }
0x151: {  	vm0 =	veq.s32 v0, $0x0;
	v0 =	vshll.u32 v0, $0x1  }
0x152: {  	v0 =	vsel vm0, $0x1, v0  }
0x153: {  	[tilespmem:$0x6600] =	vst v0  }
0x154: {  	v0 =	vld [tilespmem:s23+$0xFFFFFD20];
	_ =	sdelay $0x4  }
0x155: {  	vm13 =	veq.s32 v0, $0x0;
	v0 =	vshll.u32 v0, $0x1  }
0x156: {  	v0 =	vsel vm13, $0x1, v0  }
0x157: {  	[tilespmem:$0x6610] =	vst v0  }
0x158: {  	v0 =	vld [tilespmem:s23+$0xFFFFFD30];
	_ =	sdelay $0x4  }
0x159: {  	vm14 =	veq.s32 v0, $0x0;
	v0 =	vshll.u32 v0, $0x1  }
0x15a: {  	v0 =	vsel vm14, $0x1, v0  }
0x15b: {  	[tilespmem:$0x6620] =	vst v0  }
0x15c: {  	v0 =	vld [tilespmem:s23+$0xFFFFFD40];
	_ =	sdelay $0x4  }
0x15d: {  	vm15 =	veq.s32 v0, $0x0;
	v0 =	vshll.u32 v0, $0x1  }
0x15e: {  	v0 =	vsel vm15, $0x1, v0  }
0x15f: {  	[tilespmem:$0x6630] =	vst v0  }
0x160: {  	v0 =	vld [tilespmem:s23+$0xFFFFFD50];
	_ =	sdelay $0x4  }
0x161: {  	vm4 =	veq.s32 v0, $0x0;
	v0 =	vshll.u32 v0, $0x1  }
0x162: {  	v0 =	vsel vm4, $0x1, v0  }
0x163: {  	[tilespmem:$0x6640] =	vst v0  }
0x164: {  	v0 =	vld [tilespmem:s23+$0xFFFFFD60];
	_ =	sdelay $0x4  }
0x165: {  	vm5 =	veq.s32 v0, $0x0;
	v0 =	vshll.u32 v0, $0x1  }
0x166: {  	v0 =	vsel vm5, $0x1, v0  }
0x167: {  	[tilespmem:$0x6650] =	vst v0  }
0x168: {  	v0 =	vld [tilespmem:s23+$0xFFFFFD70];
	_ =	sdelay $0x4  }
0x169: {  	vm6 =	veq.s32 v0, $0x0;
	v0 =	vshll.u32 v0, $0x1  }
0x16a: {  	v0 =	vsel vm6, $0x1, v0  }
0x16b: {  	[tilespmem:$0x6660] =	vst v0  }
0x16c: {  	v0 =	vld [tilespmem:s23+$0xFFFFFD80];
	_ =	sdelay $0x4  }
0x16d: {  	vm7 =	veq.s32 v0, $0x0;
	v0 =	vshll.u32 v0, $0x1  }
0x16e: {  	v0 =	vsel vm7, $0x1, v0  }
0x16f: {  	[tilespmem:$0x6670] =	vst v0  }
0x170: {  	v0 =	vld [tilespmem:s23+$0xFFFFFD90];
	_ =	sdelay $0x4  }
0x171: {  	vm8 =	veq.s32 v0, $0x0;
	v0 =	vshll.u32 v0, $0x1  }
0x172: {  	v0 =	vsel vm8, $0x1, v0  }
0x173: {  	[tilespmem:$0x6680] =	vst v0  }
0x174: {  	v0 =	vld [tilespmem:s23+$0xFFFFFDA0];
	_ =	sdelay $0x4  }
0x175: {  	vm9 =	veq.s32 v0, $0x0;
	v0 =	vshll.u32 v0, $0x1  }
0x176: {  	v0 =	vsel vm9, $0x1, v0  }
0x177: {  	[tilespmem:$0x6690] =	vst v0  }
0x178: {  	v0 =	vld [tilespmem:s23+$0xFFFFFDB0];
	_ =	sdelay $0x4  }
0x179: {  	vm10 =	veq.s32 v0, $0x0;
	v0 =	vshll.u32 v0, $0x1  }
0x17a: {  	v0 =	vsel vm10, $0x1, v0  }
0x17b: {  	[tilespmem:$0x66A0] =	vst v0  }
0x17c: {  	v0 =	vld [tilespmem:s23+$0xFFFFFDC0];
	_ =	sdelay $0x4  }
0x17d: {  	vm11 =	veq.s32 v0, $0x0;
	v0 =	vshll.u32 v0, $0x1  }
0x17e: {  	v0 =	vsel vm11, $0x1, v0  }
0x17f: {  	[tilespmem:$0x66B0] =	vst v0  }
0x180: {  	v0 =	vld [tilespmem:s23+$0xFFFFFDD0];
	_ =	sdelay $0x4  }
0x181: {  	vm12 =	veq.s32 v0, $0x0;
	v0 =	vshll.u32 v0, $0x1  }
0x182: {  	v0 =	vsel vm12, $0x1, v0  }
0x183: {  	[tilespmem:$0x66C0] =	vst v0  }
0x184: {  	v0 =	vld [tilespmem:s23+$0xFFFFFDE0];
	_ =	sdelay $0x4  }
0x185: {  	vm13 =	veq.s32 v0, $0x0;
	v0 =	vshll.u32 v0, $0x1  }
0x186: {  	v0 =	vsel vm13, $0x1, v0  }
0x187: {  	[tilespmem:$0x66D0] =	vst v0  }
0x188: {  	v0 =	vld [tilespmem:s23+$0xFFFFFDF0];
	_ =	sdelay $0x4  }
0x189: {  	vm14 =	veq.s32 v0, $0x0;
	v0 =	vshll.u32 v0, $0x1  }
0x18a: {  	v0 =	vsel vm14, $0x1, v0  }
0x18b: {  	[tilespmem:$0x66E0] =	vst v0  }
0x18c: {  	v0 =	vld [tilespmem:s23+$0xFFFFFE00];
	_ =	sdelay $0x4  }
0x18d: {  	vm15 =	veq.s32 v0, $0x0;
	v0 =	vshll.u32 v0, $0x1  }
0x18e: {  	v0 =	vsel vm15, $0x1, v0  }
0x18f: {  	s25 =	simm.s32 $0x6600;
	[tilespmem:$0x66F0] =	vst v0  }
0x190: {  	[tilespmem:s22], [sflag:$0x3] =	stream.indirect.gather [hbm4b:s3+s12], $0x40, s25, s12, $0xb8;
	[tilespmem:$0x1A900] =	vst v63  }
0x191: {  	s28 =	simm.s32 $0x10900;
	s25 =	simm.s32 $0x6680  }
0x192: {  	[tilespmem:s28], [sflag:$0x3] =	stream.indirect.gather [hbm4b:s3+s12], $0x40, s25, s12, $0xb8;
	[tilespmem:$0x1A900] =	vst v63  }
.LBB2_8:
.Ltmp5:
0x193: {  	(pc) =	sbr.rel @p0 .LBB2_10-.Ltmp5, $4  }
0x194: {  	_ =	swait.ge [sflag:s13], $0x4000  }
0x195: {  	[sflag:s13] =	ssyncset.done $0x0  }
0x196: {  	s25 =	sadd.s32 s24, s9;
	[sflag:s13] =	ssyncadd.s32 $0xFFFFC000  }
0x197: {  	[hbm4b:s25+s4] =	stream.strided.scatter [tilespmem:s26], [sflag:$0x9], $0x4000, s12, s4, $0x38;
	[tilespmem:$0x1A900] =	vst v63  }
0x198: {  	_ =	swait.ge [sflag:s20], $0x4000  }
0x199: {  	[sflag:s20] =	ssyncset.done $0x0  }
0x19a: {  	[sflag:s20] =	ssyncadd.s32 $0xFFFFC000  }
0x19b: {  	v0 =	vld [tilespmem:s23+$0xFFFFFE10];
	_ =	sdelay $0x4  }
0x19c: {  	vm0 =	veq.s32 v0, $0x0;
	v0 =	vshll.u32 v0, $0x1  }
0x19d: {  	v0 =	vsel vm0, $0x1, v0  }
0x19e: {  	[tilespmem:$0x6700] =	vst v0  }
0x19f: {  	v0 =	vld [tilespmem:s23+$0xFFFFFE20];
	_ =	sdelay $0x4  }
0x1a0: {  	vm13 =	veq.s32 v0, $0x0;
	v0 =	vshll.u32 v0, $0x1  }
0x1a1: {  	v0 =	vsel vm13, $0x1, v0  }
0x1a2: {  	[tilespmem:$0x6710] =	vst v0  }
0x1a3: {  	v0 =	vld [tilespmem:s23+$0xFFFFFE30];
	_ =	sdelay $0x4  }
0x1a4: {  	vm14 =	veq.s32 v0, $0x0;
	v0 =	vshll.u32 v0, $0x1  }
0x1a5: {  	v0 =	vsel vm14, $0x1, v0  }
0x1a6: {  	[tilespmem:$0x6720] =	vst v0  }
0x1a7: {  	v0 =	vld [tilespmem:s23+$0xFFFFFE40];
	_ =	sdelay $0x4  }
0x1a8: {  	vm15 =	veq.s32 v0, $0x0;
	v0 =	vshll.u32 v0, $0x1  }
0x1a9: {  	v0 =	vsel vm15, $0x1, v0  }
0x1aa: {  	[tilespmem:$0x6730] =	vst v0  }
0x1ab: {  	v0 =	vld [tilespmem:s23+$0xFFFFFE50];
	_ =	sdelay $0x4  }
0x1ac: {  	vm4 =	veq.s32 v0, $0x0;
	v0 =	vshll.u32 v0, $0x1  }
0x1ad: {  	v0 =	vsel vm4, $0x1, v0  }
0x1ae: {  	[tilespmem:$0x6740] =	vst v0  }
0x1af: {  	v0 =	vld [tilespmem:s23+$0xFFFFFE60];
	_ =	sdelay $0x4  }
0x1b0: {  	vm5 =	veq.s32 v0, $0x0;
	v0 =	vshll.u32 v0, $0x1  }
0x1b1: {  	v0 =	vsel vm5, $0x1, v0  }
0x1b2: {  	[tilespmem:$0x6750] =	vst v0  }
0x1b3: {  	v0 =	vld [tilespmem:s23+$0xFFFFFE70];
	_ =	sdelay $0x4  }
0x1b4: {  	vm6 =	veq.s32 v0, $0x0;
	v0 =	vshll.u32 v0, $0x1  }
0x1b5: {  	v0 =	vsel vm6, $0x1, v0  }
0x1b6: {  	[tilespmem:$0x6760] =	vst v0  }
0x1b7: {  	v0 =	vld [tilespmem:s23+$0xFFFFFE80];
	_ =	sdelay $0x4  }
0x1b8: {  	vm7 =	veq.s32 v0, $0x0;
	v0 =	vshll.u32 v0, $0x1  }
0x1b9: {  	v0 =	vsel vm7, $0x1, v0  }
0x1ba: {  	[tilespmem:$0x6770] =	vst v0  }
0x1bb: {  	v0 =	vld [tilespmem:s23+$0xFFFFFE90];
	_ =	sdelay $0x4  }
0x1bc: {  	vm8 =	veq.s32 v0, $0x0;
	v0 =	vshll.u32 v0, $0x1  }
0x1bd: {  	v0 =	vsel vm8, $0x1, v0  }
0x1be: {  	[tilespmem:$0x6780] =	vst v0  }
0x1bf: {  	v0 =	vld [tilespmem:s23+$0xFFFFFEA0];
	_ =	sdelay $0x4  }
0x1c0: {  	vm9 =	veq.s32 v0, $0x0;
	v0 =	vshll.u32 v0, $0x1  }
0x1c1: {  	v0 =	vsel vm9, $0x1, v0  }
0x1c2: {  	[tilespmem:$0x6790] =	vst v0  }
0x1c3: {  	v0 =	vld [tilespmem:s23+$0xFFFFFEB0];
	_ =	sdelay $0x4  }
0x1c4: {  	vm10 =	veq.s32 v0, $0x0;
	v0 =	vshll.u32 v0, $0x1  }
0x1c5: {  	v0 =	vsel vm10, $0x1, v0  }
0x1c6: {  	[tilespmem:$0x67A0] =	vst v0  }
0x1c7: {  	v0 =	vld [tilespmem:s23+$0xFFFFFEC0];
	_ =	sdelay $0x4  }
0x1c8: {  	vm11 =	veq.s32 v0, $0x0;
	v0 =	vshll.u32 v0, $0x1  }
0x1c9: {  	v0 =	vsel vm11, $0x1, v0  }
0x1ca: {  	[tilespmem:$0x67B0] =	vst v0  }
0x1cb: {  	v0 =	vld [tilespmem:s23+$0xFFFFFED0];
	_ =	sdelay $0x4  }
0x1cc: {  	vm12 =	veq.s32 v0, $0x0;
	v0 =	vshll.u32 v0, $0x1  }
0x1cd: {  	v0 =	vsel vm12, $0x1, v0  }
0x1ce: {  	[tilespmem:$0x67C0] =	vst v0  }
0x1cf: {  	v0 =	vld [tilespmem:s23+$0xFFFFFEE0];
	_ =	sdelay $0x4  }
0x1d0: {  	vm13 =	veq.s32 v0, $0x0;
	v0 =	vshll.u32 v0, $0x1  }
0x1d1: {  	v0 =	vsel vm13, $0x1, v0  }
0x1d2: {  	[tilespmem:$0x67D0] =	vst v0  }
0x1d3: {  	v0 =	vld [tilespmem:s23+$0xFFFFFEF0];
	_ =	sdelay $0x4  }
0x1d4: {  	vm14 =	veq.s32 v0, $0x0;
	v0 =	vshll.u32 v0, $0x1  }
0x1d5: {  	v0 =	vsel vm14, $0x1, v0  }
0x1d6: {  	[tilespmem:$0x67E0] =	vst v0  }
0x1d7: {  	v0 =	vld [tilespmem:s23+$0xFFFFFF00];
	_ =	sdelay $0x4  }
0x1d8: {  	vm15 =	veq.s32 v0, $0x0;
	v0 =	vshll.u32 v0, $0x1  }
0x1d9: {  	v0 =	vsel vm15, $0x1, v0  }
0x1da: {  	s25 =	simm.s32 $0x6700;
	[tilespmem:$0x67F0] =	vst v0  }
0x1db: {  	[tilespmem:s26], [sflag:$0x4] =	stream.indirect.gather [hbm4b:s3+s12], $0x40, s25, s12, $0xb8;
	[tilespmem:$0x1A900] =	vst v63  }
0x1dc: {  	s28 =	simm.s32 $0x6780  }
0x1dd: {  	[tilespmem:s29], [sflag:$0x4] =	stream.indirect.gather [hbm4b:s3+s12], $0x40, s28, s12, $0xb8;
	[tilespmem:$0x1A900] =	vst v63  }
.LBB2_10:
.Ltmp6:
0x1de: {  	(pc) =	sbr.rel @p0 .LBB2_12-.Ltmp6, $4  }
0x1df: {  	_ =	swait.ge [sflag:s15], $0x4000  }
0x1e0: {  	[sflag:s15] =	ssyncset.done $0x0  }
0x1e1: {  	s25 =	sadd.s32 s24, s10;
	[sflag:s15] =	ssyncadd.s32 $0xFFFFC000  }
0x1e2: {  	[hbm4b:s25+s4] =	stream.strided.scatter [tilespmem:s31], [sflag:$0xA], $0x4000, s12, s4, $0x38;
	[tilespmem:$0x1A900] =	vst v63  }
0x1e3: {  	_ =	swait.ge [sflag:s21], $0x4000  }
0x1e4: {  	[sflag:s21] =	ssyncset.done $0x0  }
0x1e5: {  	[sflag:s21] =	ssyncadd.s32 $0xFFFFC000  }
0x1e6: {  	v0 =	vld [tilespmem:s23+$0xFFFFFF10];
	_ =	sdelay $0x4  }
0x1e7: {  	vm0 =	veq.s32 v0, $0x0;
	v0 =	vshll.u32 v0, $0x1  }
0x1e8: {  	v0 =	vsel vm0, $0x1, v0  }
0x1e9: {  	[tilespmem:$0x6800] =	vst v0  }
0x1ea: {  	v0 =	vld [tilespmem:s23+$0xFFFFFF20];
	_ =	sdelay $0x4  }
0x1eb: {  	vm13 =	veq.s32 v0, $0x0;
	v0 =	vshll.u32 v0, $0x1  }
0x1ec: {  	v0 =	vsel vm13, $0x1, v0  }
0x1ed: {  	[tilespmem:$0x6810] =	vst v0  }
0x1ee: {  	v0 =	vld [tilespmem:s23+$0xFFFFFF30];
	_ =	sdelay $0x4  }
0x1ef: {  	vm14 =	veq.s32 v0, $0x0;
	v0 =	vshll.u32 v0, $0x1  }
0x1f0: {  	v0 =	vsel vm14, $0x1, v0  }
0x1f1: {  	[tilespmem:$0x6820] =	vst v0  }
0x1f2: {  	v0 =	vld [tilespmem:s23+$0xFFFFFF40];
	_ =	sdelay $0x4  }
0x1f3: {  	vm15 =	veq.s32 v0, $0x0;
	v0 =	vshll.u32 v0, $0x1  }
0x1f4: {  	v0 =	vsel vm15, $0x1, v0  }
0x1f5: {  	[tilespmem:$0x6830] =	vst v0  }
0x1f6: {  	v0 =	vld [tilespmem:s23+$0xFFFFFF50];
	_ =	sdelay $0x4  }
0x1f7: {  	vm4 =	veq.s32 v0, $0x0;
	v0 =	vshll.u32 v0, $0x1  }
0x1f8: {  	v0 =	vsel vm4, $0x1, v0  }
0x1f9: {  	[tilespmem:$0x6840] =	vst v0  }
0x1fa: {  	v0 =	vld [tilespmem:s23+$0xFFFFFF60];
	_ =	sdelay $0x4  }
0x1fb: {  	vm5 =	veq.s32 v0, $0x0;
	v0 =	vshll.u32 v0, $0x1  }
0x1fc: {  	v0 =	vsel vm5, $0x1, v0  }
0x1fd: {  	[tilespmem:$0x6850] =	vst v0  }
0x1fe: {  	v0 =	vld [tilespmem:s23+$0xFFFFFF70];
	_ =	sdelay $0x4  }
0x1ff: {  	vm6 =	veq.s32 v0, $0x0;
	v0 =	vshll.u32 v0, $0x1  }
0x200: {  	v0 =	vsel vm6, $0x1, v0  }
0x201: {  	[tilespmem:$0x6860] =	vst v0  }
0x202: {  	v0 =	vld [tilespmem:s23+$0xFFFFFF80];
	_ =	sdelay $0x4  }
0x203: {  	vm7 =	veq.s32 v0, $0x0;
	v0 =	vshll.u32 v0, $0x1  }
0x204: {  	v0 =	vsel vm7, $0x1, v0  }
0x205: {  	[tilespmem:$0x6870] =	vst v0  }
0x206: {  	v0 =	vld [tilespmem:s23+$0xFFFFFF90];
	_ =	sdelay $0x4  }
0x207: {  	vm8 =	veq.s32 v0, $0x0;
	v0 =	vshll.u32 v0, $0x1  }
0x208: {  	v0 =	vsel vm8, $0x1, v0  }
0x209: {  	[tilespmem:$0x6880] =	vst v0  }
0x20a: {  	v0 =	vld [tilespmem:s23+$0xFFFFFFA0];
	_ =	sdelay $0x4  }
0x20b: {  	vm9 =	veq.s32 v0, $0x0;
	v0 =	vshll.u32 v0, $0x1  }
0x20c: {  	v0 =	vsel vm9, $0x1, v0  }
0x20d: {  	[tilespmem:$0x6890] =	vst v0  }
0x20e: {  	v0 =	vld [tilespmem:s23+$0xFFFFFFB0];
	_ =	sdelay $0x4  }
0x20f: {  	vm10 =	veq.s32 v0, $0x0;
	v0 =	vshll.u32 v0, $0x1  }
0x210: {  	v0 =	vsel vm10, $0x1, v0  }
0x211: {  	[tilespmem:$0x68A0] =	vst v0  }
0x212: {  	v0 =	vld [tilespmem:s23+$0xFFFFFFC0];
	_ =	sdelay $0x4  }
0x213: {  	vm11 =	veq.s32 v0, $0x0;
	v0 =	vshll.u32 v0, $0x1  }
0x214: {  	v0 =	vsel vm11, $0x1, v0  }
0x215: {  	[tilespmem:$0x68B0] =	vst v0  }
0x216: {  	v0 =	vld [tilespmem:s23+$0xFFFFFFD0];
	_ =	sdelay $0x4  }
0x217: {  	vm12 =	veq.s32 v0, $0x0;
	v0 =	vshll.u32 v0, $0x1  }
0x218: {  	v0 =	vsel vm12, $0x1, v0  }
0x219: {  	[tilespmem:$0x68C0] =	vst v0  }
0x21a: {  	v0 =	vld [tilespmem:s23+$0xFFFFFFE0];
	_ =	sdelay $0x4  }
0x21b: {  	vm13 =	veq.s32 v0, $0x0;
	v0 =	vshll.u32 v0, $0x1  }
0x21c: {  	v0 =	vsel vm13, $0x1, v0  }
0x21d: {  	[tilespmem:$0x68D0] =	vst v0  }
0x21e: {  	v0 =	vld [tilespmem:s23+$0xFFFFFFF0];
	_ =	sdelay $0x4  }
0x21f: {  	vm14 =	veq.s32 v0, $0x0;
	v0 =	vshll.u32 v0, $0x1  }
0x220: {  	v0 =	vsel vm14, $0x1, v0  }
0x221: {  	[tilespmem:$0x68E0] =	vst v0  }
0x222: {  	v0 =	vld [tilespmem:s23+$0x0];
	_ =	sdelay $0x4  }
0x223: {  	vm15 =	veq.s32 v0, $0x0;
	v0 =	vshll.u32 v0, $0x1  }
.Ltmp7:
0x224: {  	v0 =	vsel vm15, $0x1, v0;
	(pc) =	sbr.rel .LBB2_2-.Ltmp7, $4  }
0x225: {  	[tilespmem:$0x68F0] =	vst v0  }
0x226: {  	[tilespmem:s31], [sflag:$0x5] =	stream.indirect.gather [hbm4b:s3+s12], $0x40, s30, s12, $0xb8;
	[tilespmem:$0x1A900] =	vst v63  }
0x227: {  	s24 =	sadd.s32 $0x5000, s24;
	s23 =	sadd.s32 $0x500, s23  }
0x228: {  	[tilespmem:s0], [sflag:$0x5] =	stream.indirect.gather [hbm4b:s3+s12], $0x40, s1, s12, $0xb8;
	[tilespmem:$0x1A900] =	vst v63  }
.LBB2_13:
0x229: {  	_ =	sfence.sel $0x180000  }
0x22a: {  	[bflag:$0x0] =	sbarrier.arrive $0xFFFF  }
0x22b: {  	_ =	strace $0x90000047  }
0x22c: {  	s0 =	stileid.u32;
	[bflag:$0x2] =	sbarrier.arrive $0xFFFF  }
0x22d: {  	p0 =	sne.s32 s0, $0x0;
	s0 =	rddreg [dreg:$0x2]  }
0x22e: {  	s0 =	sadd.s32 @!p0 $0x100000, s0  }
0x22f: {  	[sflag:s0] =	ssyncadd.tile.s32 @!p0 $0x1;
	_ =	shalt  }
.Lfunc_end2:
_tile_overlayer_lowered:
.L_overlay_start_2:
0x230: {  	(tag) =	ssettag $0x2  }
0x231: {  	s0 =	rddreg [dreg:$0x0];
	s2 =	stileid.u32  }
0x232: {  	s1 =	rddreg [dreg:$0x1];
	p0 =	sne.s32 s2, $0x0  }
0x233: {  	s3 =	rddreg [dreg:$0x2];
	[bflag:$0x3] =	sbarrier.arrive $0xFFFF;
	s2 =	simm.s32 @!p0 $0x1C0B  }
0x234: {  	[timem:s3], [sflag:s2] =	dma.local @!p0 [hbm:s0], s1  }
0x235: {  	s0 =	simm.s32 @!p0 $0xB  }
0x236: {  	_ =	swait.ge @!p0 [sflag:s0], s1  }
0x237: {  	s1 =	ssub.s32 @!p0 $0x0, s1;
	[sflag:s0] =	ssyncset.done @!p0 $0x0  }
0x238: {  	[sflag:s0] =	ssyncadd.s32 @!p0 s1  }
0x239: {  	[bflag:$0x3] =	sbarrier.arrive $0xFFFF  }
0x23a: {  	_ =	shalt  }

// kernel: sparse-core-data-format-call.cloned.1.call-start
scs
called_computation_lowered:
.L_overlay_start_0:
0x0: {  	s2 =	sld [smem:$0x3FD9]  }
0x1: {  	s3 =	sld [smem:$0x3FFE];
	_ =	sdelay $0x1  }
0x2: {  	s1 =	srdreg.scid  }
0x3: {  	s0 =	sand.u32 $0x1, s1  }
0x4: {  	s18 =	sshll.u32 s0, $0xA;
	s2 =	sadd.s32 s3, s2  }
0x5: {  	s2 =	sadd.s32 s2, s18  }
0x6: {  	[smem:$0x3FC6] =	sst s2  }
0x7: {  	_ = 	snop  }
0x8: {  	s2 =	sld [smem:$0x3FD0];
	(tm) =	ssettm $0x1  }
0x9: {  	s19 =	sld [smem:$0x3FFB];
	_ =	sdelay $0x3  }
0xa: {  	_ =	strace s19  }
0xb: {  	s3 =	sld [smem:$0x3FFC];
	_ =	sdelay $0x3  }
0xc: {  	_ =	strace s3  }
0xd: {  	s3 =	sld [smem:$0x3FFD];
	_ =	sdelay $0x3  }
0xe: {  	_ =	strace s3  }
0xf: {  	_ =	strace $0x8FFFFFFF  }
0x10: {  	s20 =	sld [smem:$0x3FDB];
	_ =	sdelay $0x1  }
0x11: {  	s4 =	simm.s32 $_scs_section_size  }
0x12: {  	s5 =	simm.s32 $_size__tile_overlayer_lowered;
	s6 =	simm.s32 $_tile_overlayer_lowered  }
0x13: {  	s23 =	simm.s32 $0x1BFF;
	s22 =	sshll.u32 s6, $0x1;
	s3 =	sadd.s32 s4, s20  }
0x14: {  	s7 =	simm.s32 $0x0;
	s21 =	sshll.u32 s5, $0x1;
	s5 =	sadd.s32 s22, s3  }
0x15: {  	[timem:s7], [sflag:s23] =	dma.local [hbm:s5], s21  }
0x16: {  	_ =	swait.ge [sflag:s23], s21  }
0x17: {  	s4 =	ssub.s32 $0x0, s21;
	[sflag:s23] =	ssyncset.done $0x0  }
0x18: {  	[sflag:s23] =	ssyncadd.s32 s4;
	_ =	sdelay $0x1  }
0x19: {  	s24 =	simm.s32 $0x1B8B  }
0x1a: {  	_ =	swait.ge [sflag:s24], $0x1  }
0x1b: {  	[sflag:s24] =	ssyncset.done $0x0  }
0x1c: {  	s26 =	simm.s32 $0x1B8E;
	s25 =	sld [smem:$0x3FFE];
	[sflag:s24] =	ssyncadd.s32 $0xFFFFFFFF  }
0x1d: {  	s27 =	simm.s32 $execute0_lowered;
	[smem:$0x3FD2] =	sst s26  }
0x1e: {  	s5 =	sshll.u32 s27, $0x1;
	_ =	strace $0x80000049;
	[dreg:$0x1] =	wrdreg $0xFFFFFFFF  }
0x1f: {  	s28 =	simm.s32 $_size_execute0_lowered;
	s3 =	sadd.s32 s3, s5;
	[dreg:$0x0] =	wrdreg $0x0  }
0x20: {  	s5 =	sshll.u32 s28, $0x1;
	[dreg:$0x2] =	wrdreg s3  }
0x21: {  	[dreg:$0x3] =	wrdreg s5  }
0x22: {  	[dreg:$0x4] =	wrdreg $0xC0  }
0x23: {  	_ =	task [dreg:s7], $0x5FFFF  }
0x24: {  	[dreg:$0x1] =	wrdreg $0xFFFFFFFF  }
0x25: {  	[dreg:$0x0] =	wrdreg $0x60  }
0x26: {  	[dreg:$0x2] =	wrdreg s25  }
0x27: {  	[dreg:$0x3] =	wrdreg s2  }
0x28: {  	[dreg:$0x4] =	wrdreg $0x9  }
0x29: {  	_ =	task.clear_ibuf [dreg:s7], $0x5FFFF;
	_ =	strace $0x90000049  }
0x2a: {  	s29 =	simm.s32 $0x9;
	_ =	strace $0x8000004B  }
0x2b: {  	_ =	swait.ge [sflag:s29], $0x1  }
0x2c: {  	[sflag:s29] =	ssyncadd.s32 $0xFFFFFFFF  }
0x2d: {  	_ =	strace $0x9000004B  }
0x2e: {  	_ =	sfence  }
0x2f: {  	s30 =	sld [smem:$0x0];
	_ =	sdelay $0x2  }
0x30: {  	s31 =	sshll.u32 s1, $0xD;
	s1 =	sshrl.u32 s1, $0x2  }
0x31: {  	s3 =	sand.u32 $0x4000, s31;
	s1 =	sadd.s32 s1, s30  }
0x32: {  	s0 =	sor.u32 s3, s0;
	s1 =	sshll.u32 s1, $0x11  }
0x33: {  	s0 =	sor.u32 s1, s0  }
0x34: {  	s0 =	sadd.s32 $0x8F2B, s0  }
0x35: {  	[sflag:s0] =	ssyncadd.remote.s32 $0x1  }
0x36: {  	_ =	sfence.sel $0xFFFF  }
0x37: {  	[dreg:$0x0] =	wrdreg $0xFFFFFFFF;
	(pc) =	sbr.abs _section_cstart, $3  }
0x38: {  	[dreg:$0x1] =	wrdreg $0xFFFFFFFF  }
0x39: {  	_ =	task.clear_ibuf [dreg:s7], $0x2FFFF;
	_ =	strace $0x9FFFFFFF  }
0x3a: {  	(tm) =	ssettm $0x7FFFFFFF  }
0x3b: {  	_ =	shalt  }
tec
execute0_lowered:
.L_overlay_start_1:
0x0: {  	(tag) =	ssettag $0x1  }
0x1: {  	s0 =	srdreg.scid  }
0x2: {  	s1 =	sshll.u32 s0, $0x4  }
0x3: {  	s0 =	stileid.u32;
	s1 =	sand.u32 $0x10, s1  }
0x4: {  	s1 =	sor.u32 s0, s1  }
0x5: {  	s6 =	rddreg [dreg:$0x0];
	s4 =	simm.s32 $0x1;
	s2 =	sshll.u32 s1, $0x7  }
0x6: {  	s7 =	simm.s32 $0x2;
	s12 =	simm.s32 $0x0;
	s1 =	ssub.s32 $0x1000, s2  }
0x7: {  	s8 =	simm.s32 $0x8000;
	s13 =	simm.s32 $0x0;
	s3 =	sand.u32 $0xF80, s1  }
0x8: {  	s9 =	simm.s32 $0x0;
	s5 =	sshrl.u32 s1, $0xC;
	p0 =	sne.s32 s3, $0x0  }
.Ltmp0:
0x9: {  	s1 =	rddreg [dreg:$0x2];
	s4 =	simm.s32 @!p0 $0x0;
	(pc) =	sbr.rel .LBB1_1-.Ltmp0, $4  }
0xa: {  	s11 =	simm.s32 $0x0;
	s3 =	rddreg [dreg:$0x1];
	s5 =	sadd.s32 s4, s5  }
0xb: {  	_ =	strace $0x8000004A;
	s4 =	simm.s32 $0x1;
	s5 =	smul.u32 $0xC8, s5  }
0xc: {  	s6 =	sadd.s32 $0xA00, s6;
	s10 =	smov.u32 s2;
	[sflag:s4] =	ssyncpa.u1 $0x0  }
0xd: {  	p0 =	por $0x0, $0x0;
	[sflag:s7] =	ssyncpa.u1 $0x0;
	s7 =	sor.u32 $0x1, s5  }
.LBB1_4:
0xe: {  	s16 =	sshll.u32 s13, $0x3;
	s17 =	sand.u32 $0x78, s13  }
0xf: {  	s30 =	sand.u32 $0x7E00, s13;
	s12 =	sshll.u32 s12, $0xF;
	s16 =	sand.u32 $0xC00, s16  }
0x10: {  	[tilespmem:s15+$0x810 ss:$0x81] =	vst.msk $0xffff, v2;
	s31 =	sand.u32 $0x7, s13;
	s16 =	sor.u32 s17, s16;
	s17 =	sadd.s32 s3, s30  }
0x11: {  	[tilespmem:s15+$0x1020 ss:$0x81] =	vst.msk $0xffff, v0;
	s13 =	sshll.u32 s31, $0x12;
	s12 =	sadd.s32 s12, s17;
	s16 =	sshrl.u32 s16, $0x3  }
0x12: {  	[tilespmem:s15+$0x0 ss:$0x81] =	vst.msk $0xffff, v1;
	s13 =	sor.u32 $0x400, s13;
	s12 =	sadd.s32 s16, s12  }
0x13: {  	[hbm4b:s12+s13] =	stream.strided.scatter [tilespmem:s14], [sflag:$0x2], $0x2000, s8, s13, $0x20;
	[tilespmem:$0x8080] =	vst v63  }
.LBB1_5:
0x14: {  	s14 =	sadd.s32 $0x1, s9  }
0x15: {  	s12 =	sadd.s32 $0x1000, s10;
	s16 =	smov.u32 s10;
	p2 =	sgt.s32 s14, $0xC7  }
0x16: {  	s16 =	smov.u32 @p2 s12  }
0x17: {  	s14 =	simm.s32 @p2 $0x0;
	p2 =	sgt.s32 s16, $0xFFF  }
0x18: {  	s16 =	smov.u32 @p2 s2;
	p2 =	sne.s32 s11, s7  }
.Ltmp1:
0x19: {  	p1 =	slt.u32 s11, $0x2;
	(pc) =	sbr.rel @!p2 .LBB1_6-.Ltmp1, $4  }
0x1a: {  	s15 =	simm.s32 @!p1 $0x2  }
0x1b: {  	s13 =	smov.u32 s10;
	p0 =	por !p0, !p0;
	_ =	swait.ge @!p1 [sflag:s15], $0x2000  }
0x1c: {  	s12 =	smov.u32 s9;
	[sflag:s15] =	ssyncset.done @!p1 $0x0;
	s9 =	smov.u32 s14  }
0x1d: {  	s11 =	sadd.s32 $0x1, s11;
	[sflag:s15] =	ssyncadd.s32 @!p1 $0xFFFFE000;
	s10 =	smov.u32 s16  }
.LBB1_1:
0x1e: {  	p1 =	sge.u32 s11, s5  }
0x1f: {  	s14 =	sand.u32 @!p1 $0x1FFFFFF, s9  }
0x20: {  	s15 =	smulhi.u32 @!p1 $0x147AE15, s14;
	_ =	sdelay $0x1  }
0x21: {  	s15 =	smul.u32 @!p1 $0xC8, s15  }
0x22: {  	s16 =	sxor.u32 @!p1 $0xFFFFFFFF, s11;
	s17 =	smul.u32 @!p1 $0xC80, s10  }
0x23: {  	s31 =	sadd.s32 $0xFFFFFFFF, s11;
	s16 =	sshll.u32 @!p1 s16, $0xD;
	s14 =	ssub.s32 @!p1 s14, s15  }
0x24: {  	s15 =	sand.u32 @!p1 $0x2000, s16;
	s16 =	sadd.s32 @!p1 s6, s17;
	s14 =	sshll.u32 @!p1 s14, $0x4  }
0x25: {  	s17 =	simm.s32 @!p1 $0x6400;
	s14 =	sadd.s32 @!p1 s14, s16;
	s16 =	simm.s32 @!p1 $0x40  }
0x26: {  	[tilespmem:s15], [sflag:$0x1] =	stream.strided.gather @!p1 [hbm4b:s14+s16], $0x2000, s17, s16, $0x38;
	[tilespmem:$0x8080] =	vst v63  }
0x27: {  	p1 =	sge.u32 s31, s5  }
.Ltmp2:
0x28: {  	_ = 	snop;
	(pc) =	sbr.rel @p1 .LBB1_5-.Ltmp2, $1  }
0x29: {  	_ =	sdelay $0x3  }
0x2a: {  	s14 =	simm.s32 $0x1  }
0x2b: {  	_ =	swait.ge [sflag:s4], $0x2000;
	s14 =	simm.s32 @!p0 $0x0  }
0x2c: {  	[sflag:s4] =	ssyncset.done $0x0;
	s15 =	sshll.u32 s14, $0xD  }
0x2d: {  	[sflag:s4] =	ssyncadd.s32 $0xFFFFE000;
	s18 =	sor.u32 $0x20, s15  }
0x2e: {  	s14 =	smul.u32 $0x8100, s14;
	v3 =	vld [tilespmem:s18+$0x10]  }
0x2f: {  	s30 =	sand.u32 $0x1, s11;
	v2 =	vld [tilespmem:s18+$0xFFFFFFF0]  }
0x30: {  	s15 =	smul.u32 $0x8100, s30;
	s14 =	sshrl.u32 s14, $0x2;
	v0 =	vld [tilespmem:s18+$0x0]  }
0x31: {  	v1 =	vld [tilespmem:s18+$0xFFFFFFE0];
	s16 =	sor.u32 $0x4000, s14  }
0x32: {  	s31 =	sshrl.u32 s15, $0x2;
	s15 =	sadd.s32 $0x0, s16  }
0x33: {  	s17 =	simm.s32 $0x4;
	s18 =	sadd.s32 $0x40, s18;
	s14 =	sor.u32 $0x4000, s31;
	[tilespmem:s15+$0x1830 ss:$0x81] =	vst.msk $0xffff, v3  }
.LBB1_3:
0x34: {  	v3 =	vld [tilespmem:s18+$0x10];
	p1 =	sne.s32 s17, $0x1FC;
	[tilespmem:s15+$0x810 ss:$0x81] =	vst.msk $0xffff, v2;
	s19 =	smov.u32 s17;
	s17 =	sadd.s32 $0x4, s17  }
.Ltmp3:
0x35: {  	v2 =	vld [tilespmem:s18+$0xFFFFFFF0];
	[tilespmem:s15+$0x1020 ss:$0x81] =	vst.msk $0xffff, v0;
	(pc) =	sbr.rel @p1 .LBB1_3-.Ltmp3, $4  }
0x36: {  	v0 =	vld [tilespmem:s18+$0x0];
	[tilespmem:s15+$0x0 ss:$0x81] =	vst.msk $0xffff, v1  }
0x37: {  	s15 =	sshra.s32 s19, $0x2;
	v1 =	vld [tilespmem:s18+$0xFFFFFFE0]  }
0x38: {  	s15 =	sadd.s32 s15, s16  }
0x39: {  	s18 =	sadd.s32 $0x40, s18;
	[tilespmem:s15+$0x1830 ss:$0x81] =	vst.msk $0xffff, v3  }
.Ltmp4:
0x3a: {  	_ = 	snop;
	(pc) =	sbr.rel .LBB1_4-.Ltmp4, $1  }
0x3b: {  	_ =	sdelay $0x3  }
.LBB1_6:
0x3c: {  	_ =	sfence.sel $0x180000  }
0x3d: {  	s2 =	simm.s32 $0x1;
	[bflag:$0x0] =	sbarrier.arrive $0xFFFF  }
0x3e: {  	s31 =	simm.s32 $0x2;
	[sflag:s2] =	ssyncpa.u1 $0x1  }
0x3f: {  	[sflag:s31] =	ssyncpa.u1 $0x1  }
0x40: {  	p0 =	sne.s32 s0, $0x0;
	_ =	strace $0x9000004A  }
0x41: {  	s0 =	sadd.s32 @!p0 $0x100000, s1;
	[bflag:$0x2] =	sbarrier.arrive $0xFFFF  }
0x42: {  	[sflag:s0] =	ssyncadd.tile.s32 @!p0 $0x1;
	_ =	shalt  }
.Lfunc_end1:
_tile_overlayer_lowered:
.L_overlay_start_2:
0x43: {  	(tag) =	ssettag $0x2  }
0x44: {  	s0 =	rddreg [dreg:$0x0];
	s2 =	stileid.u32  }
0x45: {  	s1 =	rddreg [dreg:$0x1];
	p0 =	sne.s32 s2, $0x0  }
0x46: {  	s3 =	rddreg [dreg:$0x2];
	[bflag:$0x3] =	sbarrier.arrive $0xFFFF;
	s2 =	simm.s32 @!p0 $0x1C01  }
0x47: {  	[timem:s3], [sflag:s2] =	dma.local @!p0 [hbm:s0], s1  }
0x48: {  	s0 =	simm.s32 @!p0 $0x1  }
0x49: {  	_ =	swait.ge @!p0 [sflag:s0], s1  }
0x4a: {  	s1 =	ssub.s32 @!p0 $0x0, s1;
	[sflag:s0] =	ssyncset.done @!p0 $0x0  }
0x4b: {  	[sflag:s0] =	ssyncadd.s32 @!p0 s1  }
0x4c: {  	[bflag:$0x3] =	sbarrier.arrive $0xFFFF  }
0x4d: {  	_ =	shalt  }

</sc_bundles>
